<compile_context>
chip_gen: v7x
topology: tpu7x:2x2x1
jax: 0.10.2.dev20260603
libtpu: 0.0.44.dev20260713+nightly
codegen_flags: <defaults>
</compile_context>

<pallas_src>
import functools

import jax
import jax.numpy as jnp
from jax import lax
from jax.experimental import pallas as pl
from jax.experimental.pallas import tpu as pltpu
from jax.experimental.pallas import tpu_sc as plsc

DIM = 1024
INTER = 512
E = 64
TOP_K = 2
BLK = 256
NTOK = 8192
LPAD = NTOK * TOP_K + E * BLK
NB = LPAD // BLK
GATE_BLK = 512
F32_MIN = float(jnp.finfo(jnp.float32).min)



def _gate_body(x_ref, wg_ref, idx_ref, wgt_ref, rank_ref, cnt_ref, acc_ref):
    @pl.when(pl.program_id(0) == 0)
    def _():
        acc_ref[...] = jnp.zeros_like(acc_ref)

    x = x_ref[...]
    logits = lax.dot_general(x, wg_ref[...], (((1,), (1,)), ((), ())),
                             preferred_element_type=jnp.float32)
    m = jnp.max(logits, axis=-1, keepdims=True)
    ex = jnp.exp(logits - m)
    scores = ex / jnp.sum(ex, axis=-1, keepdims=True)
    cols = lax.broadcasted_iota(jnp.int32, scores.shape, 1)
    m1 = jnp.max(scores, axis=-1, keepdims=True)
    a1 = jnp.min(jnp.where(scores == m1, cols, E), axis=-1, keepdims=True)
    s2 = jnp.where(cols == a1, F32_MIN, scores)
    m2 = jnp.max(s2, axis=-1, keepdims=True)
    a2 = jnp.min(jnp.where(s2 == m2, cols, E), axis=-1, keepdims=True)

    oh0 = (cols == a1).astype(jnp.float32)
    oh1 = (cols == a2).astype(jnp.float32)
    both = oh0 + oh1
    r_i = lax.broadcasted_iota(jnp.int32, (GATE_BLK, GATE_BLK), 0)
    c_i = lax.broadcasted_iota(jnp.int32, (GATE_BLK, GATE_BLK), 1)
    lower = (r_i > c_i).astype(jnp.float32)
    prior = lax.dot_general(lower, both, (((1,), (0,)), ((), ())),
                            preferred_element_type=jnp.float32)
    prior = prior + acc_ref[...]
    rank0 = jnp.sum(oh0 * prior, axis=1, keepdims=True)
    rank1 = jnp.sum(oh1 * prior, axis=1, keepdims=True)
    acc_new = acc_ref[...] + jnp.sum(both, axis=0, keepdims=True)
    acc_ref[...] = acc_new

    idx_ref[...] = jnp.concatenate([a1, a2], axis=1)
    wgt_ref[...] = jnp.concatenate([m1, m2], axis=1)
    rank_ref[...] = jnp.concatenate([rank0, rank1], axis=1).astype(jnp.int32)
    cnt_ref[...] = acc_new.astype(jnp.int32)


def _gate(x2, Wg):
    n = x2.shape[0]
    return pl.pallas_call(
        _gate_body,
        grid=(n // GATE_BLK,),
        in_specs=[
            pl.BlockSpec((GATE_BLK, DIM), lambda i: (i, 0)),
            pl.BlockSpec((E, DIM), lambda i: (0, 0)),
        ],
        out_specs=[
            pl.BlockSpec((GATE_BLK, TOP_K), lambda i: (i, 0)),
            pl.BlockSpec((GATE_BLK, TOP_K), lambda i: (i, 0)),
            pl.BlockSpec((GATE_BLK, TOP_K), lambda i: (i, 0)),
            pl.BlockSpec((1, E), lambda i: (0, 0)),
        ],
        out_shape=[
            jax.ShapeDtypeStruct((n, TOP_K), jnp.int32),
            jax.ShapeDtypeStruct((n, TOP_K), jnp.float32),
            jax.ShapeDtypeStruct((n, TOP_K), jnp.int32),
            jax.ShapeDtypeStruct((1, E), jnp.int32),
        ],
        scratch_shapes=[pltpu.VMEM((1, E), jnp.float32)],
    )(x2, Wg)



def _slot_body(idx_ref, rank_ref, cnt_ref, slot_ref, be_ref, val_ref):
    cnt = cnt_ref[...].astype(jnp.float32)
    pc = jnp.floor((cnt + (BLK - 1)) * (1.0 / BLK)) * BLK
    r_i = lax.broadcasted_iota(jnp.int32, (E, E), 0)
    c_i = lax.broadcasted_iota(jnp.int32, (E, E), 1)
    upper = (r_i < c_i).astype(jnp.float32)
    pstart = lax.dot_general(pc, upper, (((1,), (0,)), ((), ())),
                             preferred_element_type=jnp.float32)
    cols = lax.broadcasted_iota(jnp.int32, (NTOK, E), 1)
    oh0 = (cols == idx_ref[:, 0:1]).astype(jnp.float32)
    oh1 = (cols == idx_ref[:, 1:2]).astype(jnp.float32)
    s0 = lax.dot_general(oh0, pstart, (((1,), (1,)), ((), ())),
                         preferred_element_type=jnp.float32)
    s1 = lax.dot_general(oh1, pstart, (((1,), (1,)), ((), ())),
                         preferred_element_type=jnp.float32)
    base = jnp.concatenate([s0, s1], axis=1)
    slot_ref[...] = base.astype(jnp.int32) + rank_ref[...]

    eye = (r_i == c_i).astype(jnp.float32)
    strict = (r_i > c_i).astype(jnp.float32)
    incl = (r_i >= c_i).astype(jnp.float32)
    pad_cum_t = lax.dot_general(incl, pc, (((1,), (1,)), ((), ())),
                                preferred_element_type=jnp.float32)
    pstart_t = lax.dot_general(strict, pc, (((1,), (1,)), ((), ())),
                               preferred_element_type=jnp.float32)
    cnt_t = lax.dot_general(eye, cnt, (((1,), (1,)), ((), ())),
                            preferred_element_type=jnp.float32)
    realend_t = pstart_t + cnt_t
    b_off = (lax.broadcasted_iota(jnp.int32, (E, NB), 1)
             * BLK).astype(jnp.float32)
    eid_f = jnp.sum((pad_cum_t <= b_off).astype(jnp.float32),
                    axis=0, keepdims=True)
    val_f = jnp.sum(((pstart_t <= b_off) & (b_off < realend_t))
                    .astype(jnp.float32), axis=0, keepdims=True)
    be_ref[...] = jnp.minimum(eid_f, float(E - 1)).astype(jnp.int32)
    val_ref[...] = val_f.astype(jnp.int32)


def _slots(idx, rank, cnt):
    return pl.pallas_call(
        _slot_body,
        grid=(1,),
        in_specs=[
            pl.BlockSpec((NTOK, TOP_K), lambda i: (0, 0)),
            pl.BlockSpec((NTOK, TOP_K), lambda i: (0, 0)),
            pl.BlockSpec((1, E), lambda i: (0, 0)),
        ],
        out_specs=[
            pl.BlockSpec((NTOK, TOP_K), lambda i: (0, 0)),
            pl.BlockSpec((1, NB), lambda i: (0, 0)),
            pl.BlockSpec((1, NB), lambda i: (0, 0)),
        ],
        out_shape=[
            jax.ShapeDtypeStruct((NTOK, TOP_K), jnp.int32),
            jax.ShapeDtypeStruct((1, NB), jnp.int32),
            jax.ShapeDtypeStruct((1, NB), jnp.int32),
        ],
    )(idx, rank, cnt)



_SC_CH = 64


def _iota16(base):
    return lax.iota(jnp.int32, 16) + base


def _sc_dispatch(x2, slot):
    na = NTOK * TOP_K
    info = plsc.get_sparse_core_info()
    nw = info.num_cores * info.num_subcores
    per_w = na // nw
    steps = per_w // _SC_CH
    mesh = plsc.VectorSubcoreMesh(core_axis_name="c", subcore_axis_name="s")

    @functools.partial(
        pl.kernel,
        mesh=mesh,
        out_type=jax.ShapeDtypeStruct((LPAD, DIM), jnp.float32),
        scratch_types=[
            pltpu.VMEM((_SC_CH,), jnp.int32),
            pltpu.VMEM((_SC_CH,), jnp.int32),
            pltpu.VMEM((_SC_CH, DIM), jnp.float32),
            pltpu.SemaphoreType.DMA,
            pltpu.SemaphoreType.DMA,
        ],
    )
    def dispatch_k(x_hbm, slot_hbm, xs_hbm, sv, tok_v, rows_v, s0, s1):
        wid = lax.axis_index("s") * info.num_cores + lax.axis_index("c")
        base = wid * per_w

        def body(i, carry):
            aoff = base + i * _SC_CH
            pltpu.sync_copy(slot_hbm.at[pl.ds(aoff, _SC_CH)], sv)
            for b in range(_SC_CH // 16):
                j = _iota16(aoff + 16 * b)
                tok_v[pl.ds(16 * b, 16)] = lax.shift_right_logical(j, 1)
            pltpu.async_copy(x_hbm.at[tok_v], rows_v, s0).wait()
            pltpu.async_copy(rows_v, xs_hbm.at[sv], s1).wait()
            return carry

        lax.fori_loop(0, steps, body, 0)

    return dispatch_k(x2, slot)


def _sc_combine(ys, slot):
    na = NTOK * TOP_K
    info = plsc.get_sparse_core_info()
    nw = info.num_cores * info.num_subcores
    per_w = na // nw
    steps = per_w // _SC_CH
    mesh = plsc.VectorSubcoreMesh(core_axis_name="c", subcore_axis_name="s")

    @functools.partial(
        pl.kernel,
        mesh=mesh,
        out_type=jax.ShapeDtypeStruct((TOP_K * NTOK, DIM), jnp.float32),
        scratch_types=[
            pltpu.VMEM((_SC_CH,), jnp.int32),
            pltpu.VMEM((_SC_CH,), jnp.int32),
            pltpu.VMEM((_SC_CH, DIM), jnp.float32),
            pltpu.SemaphoreType.DMA,
            pltpu.SemaphoreType.DMA,
        ],
    )
    def combine_k(ys_hbm, slot_hbm, g_hbm, sv, dst_v, rows_v, s0, s1):
        wid = lax.axis_index("s") * info.num_cores + lax.axis_index("c")
        base = wid * per_w

        def body(i, carry):
            aoff = base + i * _SC_CH
            pltpu.sync_copy(slot_hbm.at[pl.ds(aoff, _SC_CH)], sv)
            for b in range(_SC_CH // 16):
                j = _iota16(aoff + 16 * b)
                dst_v[pl.ds(16 * b, 16)] = (
                    lax.shift_right_logical(j, 1)
                    + (j & 1) * NTOK)
            pltpu.async_copy(ys_hbm.at[sv], rows_v, s0).wait()
            pltpu.async_copy(rows_v, g_hbm.at[dst_v], s1).wait()
            return carry

        lax.fori_loop(0, steps, body, 0)

    return combine_k(ys, slot)



def _group_body(eid_ref, val_ref, xs_ref, w1_ref, w3_ref, w2_ref, ys_ref):
    @pl.when(val_ref[pl.program_id(0)] == 1)
    def _():
        x = xs_ref[...].astype(jnp.bfloat16)
        w1b = w1_ref[0].astype(jnp.bfloat16)
        w3b = w3_ref[0].astype(jnp.bfloat16)
        h1 = lax.dot_general(x, w1b, (((1,), (1,)), ((), ())),
                             preferred_element_type=jnp.float32)
        h3 = lax.dot_general(x, w3b, (((1,), (1,)), ((), ())),
                             preferred_element_type=jnp.float32)
        h = ((h1 * jax.nn.sigmoid(h1)) * h3).astype(jnp.bfloat16)
        w2b = w2_ref[0].astype(jnp.bfloat16)
        ys_ref[...] = lax.dot_general(h, w2b, (((1,), (1,)), ((), ())),
                                      preferred_element_type=jnp.float32)


def _grouped_mlp(xs, w1, w2, w3, blk_eid, valid):
    grid_spec = pltpu.PrefetchScalarGridSpec(
        num_scalar_prefetch=2,
        grid=(NB,),
        in_specs=[
            pl.BlockSpec((BLK, DIM), lambda i, e, v: (i, 0)),
            pl.BlockSpec((1, INTER, DIM), lambda i, e, v: (e[i], 0, 0)),
            pl.BlockSpec((1, INTER, DIM), lambda i, e, v: (e[i], 0, 0)),
            pl.BlockSpec((1, DIM, INTER), lambda i, e, v: (e[i], 0, 0)),
        ],
        out_specs=pl.BlockSpec((BLK, DIM), lambda i, e, v: (i, 0)),
    )
    return pl.pallas_call(
        _group_body,
        grid_spec=grid_spec,
        out_shape=jax.ShapeDtypeStruct((LPAD, DIM), jnp.float32),
    )(blk_eid, valid, xs, w1, w3, w2)



def _final_body(x_ref, sw1_ref, sw3_ref, sw2_ref, g_ref, wgt_ref, out_ref):
    x = x_ref[...]
    h1 = lax.dot_general(x, sw1_ref[...], (((1,), (1,)), ((), ())),
                         preferred_element_type=jnp.float32)
    h3 = lax.dot_general(x, sw3_ref[...], (((1,), (1,)), ((), ())),
                         preferred_element_type=jnp.float32)
    h = (h1 * jax.nn.sigmoid(h1)) * h3
    z = lax.dot_general(h, sw2_ref[...], (((1,), (1,)), ((), ())),
                        preferred_element_type=jnp.float32)
    w0 = wgt_ref[:, 0:1]
    w1c = wgt_ref[:, 1:2]
    out_ref[...] = z + w0 * g_ref[0] + w1c * g_ref[1]


def _final(x2, sw1, sw2, sw3, garr, wgt):
    n = x2.shape[0]
    return pl.pallas_call(
        _final_body,
        grid=(n // GATE_BLK,),
        in_specs=[
            pl.BlockSpec((GATE_BLK, DIM), lambda i: (i, 0)),
            pl.BlockSpec((INTER, DIM), lambda i: (0, 0)),
            pl.BlockSpec((INTER, DIM), lambda i: (0, 0)),
            pl.BlockSpec((DIM, INTER), lambda i: (0, 0)),
            pl.BlockSpec((TOP_K, GATE_BLK, DIM), lambda i: (0, i, 0)),
            pl.BlockSpec((GATE_BLK, TOP_K), lambda i: (i, 0)),
        ],
        out_specs=pl.BlockSpec((GATE_BLK, DIM), lambda i: (i, 0)),
        out_shape=jax.ShapeDtypeStruct((n, DIM), jnp.float32),
    )(x2, sw1, sw3, sw2, garr, wgt)



def kernel(x, Wg, w1, w2, w3, sw1, sw2, sw3):
    shape = x.shape
    x2 = x.reshape(-1, DIM)

    idx, wgt, rank, cnt = _gate(x2, Wg)
    slot, be2, val2 = _slots(idx, rank, cnt)
    blk_eid = be2.reshape(NB)
    valid = val2.reshape(NB)

    slot_flat = slot.reshape(-1)
    xs = _sc_dispatch(x2, slot_flat)
    ys = _grouped_mlp(xs, w1, w2, w3, blk_eid, valid)
    garr = _sc_combine(ys, slot_flat).reshape(TOP_K, NTOK, DIM)
    out = _final(x2, sw1, sw2, sw3, garr, wgt)
    return out.reshape(shape)

# --- scband reference (transcript-rebuilt; emitter-appended) ---
"""Pipeline reference for scband-mo-e-28329604284811 (READ-ONLY COPY).

The authoritative reference and input builder live on the scoring server;
editing this copy changes nothing except your own understanding.
"""

import jax, jax.numpy as jnp
import numpy as np

DIM = 1024
INTER = 512
E = 64
TOP_K = 2
ROUTE_SCALE = 1.0


def mlp(x, w1, w2, w3):
    # torch Linear(dim, inter): y = x @ W.T, weights shaped [out, in]
    h = jax.nn.silu(x @ w1.T) * (x @ w3.T)
    return h @ w2.T


def setup_inputs(seed: int = 0) -> dict:
    key = jax.random.key(seed)
    ks = jax.random.split(key, 8)
    x = jax.random.normal(ks[0], (2, 4096, DIM), dtype=jnp.float32)
    Wg = jax.random.normal(ks[1], (E, DIM), dtype=jnp.float32) * 0.02
    w1 = jax.random.normal(ks[2], (E, INTER, DIM), dtype=jnp.float32) * 0.02
    w2 = jax.random.normal(ks[3], (E, DIM, INTER), dtype=jnp.float32) * 0.02
    w3 = jax.random.normal(ks[4], (E, INTER, DIM), dtype=jnp.float32) * 0.02
    # shared experts: MLP(dim, n_shared_experts * moe_inter_dim) with n_shared_experts=1
    sw1 = jax.random.normal(ks[5], (INTER, DIM), dtype=jnp.float32) * 0.02
    sw2 = jax.random.normal(ks[6], (DIM, INTER), dtype=jnp.float32) * 0.02
    sw3 = jax.random.normal(ks[7], (INTER, DIM), dtype=jnp.float32) * 0.02
    return {"x": x, "Wg": Wg, "w1": w1, "w2": w2, "w3": w3, "sw1": sw1, "sw2": sw2, "sw3": sw3}


def reference(x, Wg, w1, w2, w3, sw1, sw2, sw3):
    shape = x.shape
    x2 = x.reshape(-1, DIM)
    # Gate: softmax score_func, dim != 7168 so no bias, n_expert_groups == 1 so no group masking
    logits = x2 @ Wg.T
    scores = jax.nn.softmax(logits.astype(jnp.float32), axis=-1)
    # topk over scores (add_bias is identity); weights = original_scores gathered at indices
    topv, indices = jax.lax.top_k(scores, TOP_K)
    weights = topv  # get_weight is identity for softmax
    weights = (weights * ROUTE_SCALE).astype(x.dtype)
    y = jnp.zeros_like(x2)
    for i in range(E):
        wi = jnp.sum(jnp.where(indices == i, weights, jnp.zeros_like(weights)), axis=-1)
        yi = mlp(x2, w1[i], w2[i], w3[i])
        y = y + yi * wi[:, None]
    z = mlp(x2, sw1, sw2, sw3)
    return (y + z).reshape(shape)

if __name__ == "__main__":
    import jax
    _d = setup_inputs()
    print(jax.jit(kernel)(*tuple(_d.values())))

</pallas_src>

<mosaic_0001>
#map = affine_map<(d0, d1) -> (0, 0)>
#map1 = affine_map<(d0, d1) -> (0)>
module attributes {stable_mosaic.version = 14 : i64} {
  func.func @dispatch_k(%arg0: i32, %arg1: i32, %arg2: memref<8192x1024xf32, #tpu.memory_space<hbm>>, %arg3: memref<16384xi32, #tpu.memory_space<hbm>>, %arg4: memref<32768x1024xf32, #tpu.memory_space<hbm>>, %arg5: memref<64xi32, #tpu.memory_space<vmem>>, %arg6: memref<64xi32, #tpu.memory_space<vmem>>, %arg7: memref<64x1024xf32, #tpu.memory_space<vmem>>, %arg8: memref<!tpu.dma_semaphore, #tpu.memory_space<semaphore_mem>>, %arg9: memref<!tpu.dma_semaphore, #tpu.memory_space<semaphore_mem>>) attributes {dimension_semantics = [#tpu.dimension_semantics<core_parallel>, #tpu.dimension_semantics<subcore_parallel>], iteration_bounds = array<i64: 2, 16>, scalar_prefetch = 0 : i64, scratch_operands = 5 : i64, tpu.core_type = #tpu.core_type<sc_vector_subcore>, window_params = [{transform_indices = #map}, {transform_indices = #map1}, {transform_indices = #map}]} {
    %mul3A = arith.constant 2 : i32
    %mul3A_0 = arith.muli %arg1, %mul3A : i32
    %add3A = arith.addi %mul3A_0, %arg0 : i32
    %mul3A_1 = arith.constant 512 : i32
    %mul3A_2 = arith.muli %add3A, %mul3A_1 : i32
    %scan3A = arith.constant 0 : i32
    %scan3A_3 = arith.constant 0 : i32
    %scan3A_4 = arith.constant 8 : i32
    %scan3A_5 = arith.addi %scan3A_3, %scan3A_4 : i32
    %scan3A_6 = arith.constant 1 : i32
    scf.for %scan3A_8 = %scan3A_3 to %scan3A_5 step %scan3A_6  : i32 {
      %mul3A_9 = arith.constant 64 : i32
      %mul3A_10 = arith.muli %scan3A_8, %mul3A_9 : i32
      %add3A_11 = arith.addi %mul3A_2, %mul3A_10 : i32
      "tpu.region"() ({
        %run_scoped3A = tpu.sem_alloc : memref<!tpu.dma_semaphore, #tpu.memory_space<semaphore_mem>>
        %dma_start3A_67 = tpu.memref_slice %arg3[%add3A_11] : memref<16384xi32, #tpu.memory_space<hbm>> -> memref<64xi32, #tpu.memory_space<hbm>>
        %dma_start3A_68 = tpu.memref_slice %arg3[%add3A_11] : memref<16384xi32, #tpu.memory_space<hbm>> -> memref<64xi32, #tpu.memory_space<hbm>>
        tpu.enqueue_dma source(%dma_start3A_68 : memref<64xi32, #tpu.memory_space<hbm>>) target(%arg5 : memref<64xi32, #tpu.memory_space<vmem>>) target_semaphore(%run_scoped3A : memref<!tpu.dma_semaphore, #tpu.memory_space<semaphore_mem>>)
        %dma_wait3A_69 = tpu.memref_slice %arg3[%add3A_11] : memref<16384xi32, #tpu.memory_space<hbm>> -> memref<64xi32, #tpu.memory_space<hbm>>
        %dma_wait3A_70 = tpu.memref_slice %arg3[%add3A_11] : memref<16384xi32, #tpu.memory_space<hbm>> -> memref<64xi32, #tpu.memory_space<hbm>>
        tpu.wait_dma2 semaphore(%run_scoped3A : memref<!tpu.dma_semaphore, #tpu.memory_space<semaphore_mem>>) src(%dma_wait3A_70 : memref<64xi32, #tpu.memory_space<hbm>>) dst(%arg5 : memref<64xi32, #tpu.memory_space<vmem>>)
        tpu.yield
      }) : () -> ()
      %add3A_12 = arith.constant 0 : i32
      %add3A_13 = arith.addi %add3A_11, %add3A_12 : i32
      %iota3A = tpu.iota {dimensions = array<i32: 0>} : vector<16xi32>
      %add3A_14 = vector.broadcast %add3A_13 : i32 to vector<16xi32>
      %add3A_15 = arith.addi %iota3A, %add3A_14 : vector<16xi32>
      %shift_right_logical3A = arith.constant 1 : i32
      %shift_right_logical3A_16 = vector.broadcast %shift_right_logical3A : i32 to vector<16xi32>
      %shift_right_logical3A_17 = arith.shrui %add3A_15, %shift_right_logical3A_16 : vector<16xi32>
      %swap3A = arith.constant 0 : index
      %swap3A_18 = tpu.vector_load %arg6[%swap3A] {strides = array<i32>} : memref<64xi32, #tpu.memory_space<vmem>>, vector<16xi32>,
      %swap3A_19 = vector.shape_cast %swap3A_18 : vector<16xi32> to vector<16xi32>
      %swap3A_20 = vector.shape_cast %shift_right_logical3A_17 : vector<16xi32> to vector<16xi32>
      tpu.vector_store %arg6[%swap3A], %swap3A_20 {strides = array<i32>} : memref<64xi32, #tpu.memory_space<vmem>>, vector<16xi32>,
      %add3A_21 = arith.constant 16 : i32
      %add3A_22 = arith.addi %add3A_11, %add3A_21 : i32
      %iota3A_23 = tpu.iota {dimensions = array<i32: 0>} : vector<16xi32>
      %add3A_24 = vector.broadcast %add3A_22 : i32 to vector<16xi32>
      %add3A_25 = arith.addi %iota3A_23, %add3A_24 : vector<16xi32>
      %shift_right_logical3A_26 = arith.constant 1 : i32
      %shift_right_logical3A_27 = vector.broadcast %shift_right_logical3A_26 : i32 to vector<16xi32>
      %shift_right_logical3A_28 = arith.shrui %add3A_25, %shift_right_logical3A_27 : vector<16xi32>
      %swap3A_29 = arith.constant 16 : index
      %swap3A_30 = tpu.vector_load %arg6[%swap3A_29] {strides = array<i32>} : memref<64xi32, #tpu.memory_space<vmem>>, vector<16xi32>,
      %swap3A_31 = vector.shape_cast %swap3A_30 : vector<16xi32> to vector<16xi32>
      %swap3A_32 = vector.shape_cast %shift_right_logical3A_28 : vector<16xi32> to vector<16xi32>
      tpu.vector_store %arg6[%swap3A_29], %swap3A_32 {strides = array<i32>} : memref<64xi32, #tpu.memory_space<vmem>>, vector<16xi32>,
      %add3A_33 = arith.constant 32 : i32
      %add3A_34 = arith.addi %add3A_11, %add3A_33 : i32
      %iota3A_35 = tpu.iota {dimensions = array<i32: 0>} : vector<16xi32>
      %add3A_36 = vector.broadcast %add3A_34 : i32 to vector<16xi32>
      %add3A_37 = arith.addi %iota3A_35, %add3A_36 : vector<16xi32>
      %shift_right_logical3A_38 = arith.constant 1 : i32
      %shift_right_logical3A_39 = vector.broadcast %shift_right_logical3A_38 : i32 to vector<16xi32>
      %shift_right_logical3A_40 = arith.shrui %add3A_37, %shift_right_logical3A_39 : vector<16xi32>
      %swap3A_41 = arith.constant 32 : index
      %swap3A_42 = tpu.vector_load %arg6[%swap3A_41] {strides = array<i32>} : memref<64xi32, #tpu.memory_space<vmem>>, vector<16xi32>,
      %swap3A_43 = vector.shape_cast %swap3A_42 : vector<16xi32> to vector<16xi32>
      %swap3A_44 = vector.shape_cast %shift_right_logical3A_40 : vector<16xi32> to vector<16xi32>
      tpu.vector_store %arg6[%swap3A_41], %swap3A_44 {strides = array<i32>} : memref<64xi32, #tpu.memory_space<vmem>>, vector<16xi32>,
      %add3A_45 = arith.constant 48 : i32
      %add3A_46 = arith.addi %add3A_11, %add3A_45 : i32
      %iota3A_47 = tpu.iota {dimensions = array<i32: 0>} : vector<16xi32>
      %add3A_48 = vector.broadcast %add3A_46 : i32 to vector<16xi32>
      %add3A_49 = arith.addi %iota3A_47, %add3A_48 : vector<16xi32>
      %shift_right_logical3A_50 = arith.constant 1 : i32
      %shift_right_logical3A_51 = vector.broadcast %shift_right_logical3A_50 : i32 to vector<16xi32>
      %shift_right_logical3A_52 = arith.shrui %add3A_49, %shift_right_logical3A_51 : vector<16xi32>
      %swap3A_53 = arith.constant 48 : index
      %swap3A_54 = tpu.vector_load %arg6[%swap3A_53] {strides = array<i32>} : memref<64xi32, #tpu.memory_space<vmem>>, vector<16xi32>,
      %swap3A_55 = vector.shape_cast %swap3A_54 : vector<16xi32> to vector<16xi32>
      %swap3A_56 = vector.shape_cast %shift_right_logical3A_52 : vector<16xi32> to vector<16xi32>
      tpu.vector_store %arg6[%swap3A_53], %swap3A_56 {strides = array<i32>} : memref<64xi32, #tpu.memory_space<vmem>>, vector<16xi32>,
      %dma_start3A = arith.constant 0 : i32
      %dma_start3A_57 = arith.constant 0 : i32
      %dma_start3A_58 = tpu.memref_slice %arg2[%dma_start3A, %dma_start3A_57] : memref<8192x1024xf32, #tpu.memory_space<hbm>> -> memref<8192x1024xf32, #tpu.memory_space<hbm>>
      tpu.enqueue_indirect_dma source(%dma_start3A_58 : memref<8192x1024xf32, #tpu.memory_space<hbm>>) target(%arg7 : memref<64x1024xf32, #tpu.memory_space<vmem>>) offsets(%arg6 : memref<64xi32, #tpu.memory_space<vmem>>) semaphore(%arg8 : memref<!tpu.dma_semaphore, #tpu.memory_space<semaphore_mem>>)
      %dma_wait3A = arith.constant 0 : i32
      %dma_wait3A_59 = arith.constant 0 : i32
      %dma_wait3A_60 = tpu.memref_slice %arg2[%dma_wait3A, %dma_wait3A_59] : memref<8192x1024xf32, #tpu.memory_space<hbm>> -> memref<8192x1024xf32, #tpu.memory_space<hbm>>
      tpu.wait_indirect_dma semaphore(%arg8 : memref<!tpu.dma_semaphore, #tpu.memory_space<semaphore_mem>>) src(%dma_wait3A_60 : memref<8192x1024xf32, #tpu.memory_space<hbm>>) dst(%arg7 : memref<64x1024xf32, #tpu.memory_space<vmem>>)
      %dma_start3A_61 = arith.constant 0 : i32
      %dma_start3A_62 = arith.constant 0 : i32
      %dma_start3A_63 = tpu.memref_slice %arg4[%dma_start3A_61, %dma_start3A_62] : memref<32768x1024xf32, #tpu.memory_space<hbm>> -> memref<32768x1024xf32, #tpu.memory_space<hbm>>
      tpu.enqueue_indirect_dma source(%arg7 : memref<64x1024xf32, #tpu.memory_space<vmem>>) target(%dma_start3A_63 : memref<32768x1024xf32, #tpu.memory_space<hbm>>) offsets(%arg5 : memref<64xi32, #tpu.memory_space<vmem>>) semaphore(%arg9 : memref<!tpu.dma_semaphore, #tpu.memory_space<semaphore_mem>>)
      %dma_wait3A_64 = arith.constant 0 : i32
      %dma_wait3A_65 = arith.constant 0 : i32
      %dma_wait3A_66 = tpu.memref_slice %arg4[%dma_wait3A_64, %dma_wait3A_65] : memref<32768x1024xf32, #tpu.memory_space<hbm>> -> memref<32768x1024xf32, #tpu.memory_space<hbm>>
      tpu.wait_indirect_dma semaphore(%arg9 : memref<!tpu.dma_semaphore, #tpu.memory_space<semaphore_mem>>) src(%arg7 : memref<64x1024xf32, #tpu.memory_space<vmem>>) dst(%dma_wait3A_66 : memref<32768x1024xf32, #tpu.memory_space<hbm>>)
    }
    %scan3A_7 = arith.constant 8 : i32
    return
  }
}

#map = affine_map<(d0, d1) -> (0, 0)>
#map1 = affine_map<(d0, d1) -> (0)>
module attributes {stable_mosaic.version = 14 : i64} {
  func.func @combine_k(%arg0: i32, %arg1: i32, %arg2: memref<32768x1024xf32, #tpu.memory_space<hbm>>, %arg3: memref<16384xi32, #tpu.memory_space<hbm>>, %arg4: memref<16384x1024xf32, #tpu.memory_space<hbm>>, %arg5: memref<64xi32, #tpu.memory_space<vmem>>, %arg6: memref<64xi32, #tpu.memory_space<vmem>>, %arg7: memref<64x1024xf32, #tpu.memory_space<vmem>>, %arg8: memref<!tpu.dma_semaphore, #tpu.memory_space<semaphore_mem>>, %arg9: memref<!tpu.dma_semaphore, #tpu.memory_space<semaphore_mem>>) attributes {dimension_semantics = [#tpu.dimension_semantics<core_parallel>, #tpu.dimension_semantics<subcore_parallel>], iteration_bounds = array<i64: 2, 16>, scalar_prefetch = 0 : i64, scratch_operands = 5 : i64, tpu.core_type = #tpu.core_type<sc_vector_subcore>, window_params = [{transform_indices = #map}, {transform_indices = #map1}, {transform_indices = #map}]} {
    %mul3A = arith.constant 2 : i32
    %mul3A_0 = arith.muli %arg1, %mul3A : i32
    %add3A = arith.addi %mul3A_0, %arg0 : i32
    %mul3A_1 = arith.constant 512 : i32
    %mul3A_2 = arith.muli %add3A, %mul3A_1 : i32
    %scan3A = arith.constant 0 : i32
    %scan3A_3 = arith.constant 0 : i32
    %scan3A_4 = arith.constant 8 : i32
    %scan3A_5 = arith.addi %scan3A_3, %scan3A_4 : i32
    %scan3A_6 = arith.constant 1 : i32
    scf.for %scan3A_8 = %scan3A_3 to %scan3A_5 step %scan3A_6  : i32 {
      %mul3A_9 = arith.constant 64 : i32
      %mul3A_10 = arith.muli %scan3A_8, %mul3A_9 : i32
      %add3A_11 = arith.addi %mul3A_2, %mul3A_10 : i32
      "tpu.region"() ({
        %run_scoped3A = tpu.sem_alloc : memref<!tpu.dma_semaphore, #tpu.memory_space<semaphore_mem>>
        %dma_start3A_94 = tpu.memref_slice %arg3[%add3A_11] : memref<16384xi32, #tpu.memory_space<hbm>> -> memref<64xi32, #tpu.memory_space<hbm>>
        %dma_start3A_95 = tpu.memref_slice %arg3[%add3A_11] : memref<16384xi32, #tpu.memory_space<hbm>> -> memref<64xi32, #tpu.memory_space<hbm>>
        tpu.enqueue_dma source(%dma_start3A_95 : memref<64xi32, #tpu.memory_space<hbm>>) target(%arg5 : memref<64xi32, #tpu.memory_space<vmem>>) target_semaphore(%run_scoped3A : memref<!tpu.dma_semaphore, #tpu.memory_space<semaphore_mem>>)
        %dma_wait3A_96 = tpu.memref_slice %arg3[%add3A_11] : memref<16384xi32, #tpu.memory_space<hbm>> -> memref<64xi32, #tpu.memory_space<hbm>>
        %dma_wait3A_97 = tpu.memref_slice %arg3[%add3A_11] : memref<16384xi32, #tpu.memory_space<hbm>> -> memref<64xi32, #tpu.memory_space<hbm>>
        tpu.wait_dma2 semaphore(%run_scoped3A : memref<!tpu.dma_semaphore, #tpu.memory_space<semaphore_mem>>) src(%dma_wait3A_97 : memref<64xi32, #tpu.memory_space<hbm>>) dst(%arg5 : memref<64xi32, #tpu.memory_space<vmem>>)
        tpu.yield
      }) : () -> ()
      %add3A_12 = arith.constant 0 : i32
      %add3A_13 = arith.addi %add3A_11, %add3A_12 : i32
      %iota3A = tpu.iota {dimensions = array<i32: 0>} : vector<16xi32>
      %add3A_14 = vector.broadcast %add3A_13 : i32 to vector<16xi32>
      %add3A_15 = arith.addi %iota3A, %add3A_14 : vector<16xi32>
      %shift_right_logical3A = arith.constant 1 : i32
      %shift_right_logical3A_16 = vector.broadcast %shift_right_logical3A : i32 to vector<16xi32>
      %shift_right_logical3A_17 = arith.shrui %add3A_15, %shift_right_logical3A_16 : vector<16xi32>
      %and3A = arith.constant 1 : i32
      %and3A_18 = vector.broadcast %and3A : i32 to vector<16xi32>
      %and3A_19 = arith.andi %add3A_15, %and3A_18 : vector<16xi32>
      %mul3A_20 = arith.constant 8192 : i32
      %mul3A_21 = vector.broadcast %mul3A_20 : i32 to vector<16xi32>
      %mul3A_22 = arith.muli %and3A_19, %mul3A_21 : vector<16xi32>
      %add3A_23 = arith.addi %shift_right_logical3A_17, %mul3A_22 : vector<16xi32>
      %swap3A = arith.constant 0 : index
      %swap3A_24 = tpu.vector_load %arg6[%swap3A] {strides = array<i32>} : memref<64xi32, #tpu.memory_space<vmem>>, vector<16xi32>,
      %swap3A_25 = vector.shape_cast %swap3A_24 : vector<16xi32> to vector<16xi32>
      %swap3A_26 = vector.shape_cast %add3A_23 : vector<16xi32> to vector<16xi32>
      tpu.vector_store %arg6[%swap3A], %swap3A_26 {strides = array<i32>} : memref<64xi32, #tpu.memory_space<vmem>>, vector<16xi32>,
      %add3A_27 = arith.constant 16 : i32
      %add3A_28 = arith.addi %add3A_11, %add3A_27 : i32
      %iota3A_29 = tpu.iota {dimensions = array<i32: 0>} : vector<16xi32>
      %add3A_30 = vector.broadcast %add3A_28 : i32 to vector<16xi32>
      %add3A_31 = arith.addi %iota3A_29, %add3A_30 : vector<16xi32>
      %shift_right_logical3A_32 = arith.constant 1 : i32
      %shift_right_logical3A_33 = vector.broadcast %shift_right_logical3A_32 : i32 to vector<16xi32>
      %shift_right_logical3A_34 = arith.shrui %add3A_31, %shift_right_logical3A_33 : vector<16xi32>
      %and3A_35 = arith.constant 1 : i32
      %and3A_36 = vector.broadcast %and3A_35 : i32 to vector<16xi32>
      %and3A_37 = arith.andi %add3A_31, %and3A_36 : vector<16xi32>
      %mul3A_38 = arith.constant 8192 : i32
      %mul3A_39 = vector.broadcast %mul3A_38 : i32 to vector<16xi32>
      %mul3A_40 = arith.muli %and3A_37, %mul3A_39 : vector<16xi32>
      %add3A_41 = arith.addi %shift_right_logical3A_34, %mul3A_40 : vector<16xi32>
      %swap3A_42 = arith.constant 16 : index
      %swap3A_43 = tpu.vector_load %arg6[%swap3A_42] {strides = array<i32>} : memref<64xi32, #tpu.memory_space<vmem>>, vector<16xi32>,
      %swap3A_44 = vector.shape_cast %swap3A_43 : vector<16xi32> to vector<16xi32>
      %swap3A_45 = vector.shape_cast %add3A_41 : vector<16xi32> to vector<16xi32>
      tpu.vector_store %arg6[%swap3A_42], %swap3A_45 {strides = array<i32>} : memref<64xi32, #tpu.memory_space<vmem>>, vector<16xi32>,
      %add3A_46 = arith.constant 32 : i32
      %add3A_47 = arith.addi %add3A_11, %add3A_46 : i32
      %iota3A_48 = tpu.iota {dimensions = array<i32: 0>} : vector<16xi32>
      %add3A_49 = vector.broadcast %add3A_47 : i32 to vector<16xi32>
      %add3A_50 = arith.addi %iota3A_48, %add3A_49 : vector<16xi32>
      %shift_right_logical3A_51 = arith.constant 1 : i32
      %shift_right_logical3A_52 = vector.broadcast %shift_right_logical3A_51 : i32 to vector<16xi32>
      %shift_right_logical3A_53 = arith.shrui %add3A_50, %shift_right_logical3A_52 : vector<16xi32>
      %and3A_54 = arith.constant 1 : i32
      %and3A_55 = vector.broadcast %and3A_54 : i32 to vector<16xi32>
      %and3A_56 = arith.andi %add3A_50, %and3A_55 : vector<16xi32>
      %mul3A_57 = arith.constant 8192 : i32
      %mul3A_58 = vector.broadcast %mul3A_57 : i32 to vector<16xi32>
      %mul3A_59 = arith.muli %and3A_56, %mul3A_58 : vector<16xi32>
      %add3A_60 = arith.addi %shift_right_logical3A_53, %mul3A_59 : vector<16xi32>
      %swap3A_61 = arith.constant 32 : index
      %swap3A_62 = tpu.vector_load %arg6[%swap3A_61] {strides = array<i32>} : memref<64xi32, #tpu.memory_space<vmem>>, vector<16xi32>,
      %swap3A_63 = vector.shape_cast %swap3A_62 : vector<16xi32> to vector<16xi32>
      %swap3A_64 = vector.shape_cast %add3A_60 : vector<16xi32> to vector<16xi32>
      tpu.vector_store %arg6[%swap3A_61], %swap3A_64 {strides = array<i32>} : memref<64xi32, #tpu.memory_space<vmem>>, vector<16xi32>,
      %add3A_65 = arith.constant 48 : i32
      %add3A_66 = arith.addi %add3A_11, %add3A_65 : i32
      %iota3A_67 = tpu.iota {dimensions = array<i32: 0>} : vector<16xi32>
      %add3A_68 = vector.broadcast %add3A_66 : i32 to vector<16xi32>
      %add3A_69 = arith.addi %iota3A_67, %add3A_68 : vector<16xi32>
      %shift_right_logical3A_70 = arith.constant 1 : i32
      %shift_right_logical3A_71 = vector.broadcast %shift_right_logical3A_70 : i32 to vector<16xi32>
      %shift_right_logical3A_72 = arith.shrui %add3A_69, %shift_right_logical3A_71 : vector<16xi32>
      %and3A_73 = arith.constant 1 : i32
      %and3A_74 = vector.broadcast %and3A_73 : i32 to vector<16xi32>
      %and3A_75 = arith.andi %add3A_69, %and3A_74 : vector<16xi32>
      %mul3A_76 = arith.constant 8192 : i32
      %mul3A_77 = vector.broadcast %mul3A_76 : i32 to vector<16xi32>
      %mul3A_78 = arith.muli %and3A_75, %mul3A_77 : vector<16xi32>
      %add3A_79 = arith.addi %shift_right_logical3A_72, %mul3A_78 : vector<16xi32>
      %swap3A_80 = arith.constant 48 : index
      %swap3A_81 = tpu.vector_load %arg6[%swap3A_80] {strides = array<i32>} : memref<64xi32, #tpu.memory_space<vmem>>, vector<16xi32>,
      %swap3A_82 = vector.shape_cast %swap3A_81 : vector<16xi32> to vector<16xi32>
      %swap3A_83 = vector.shape_cast %add3A_79 : vector<16xi32> to vector<16xi32>
      tpu.vector_store %arg6[%swap3A_80], %swap3A_83 {strides = array<i32>} : memref<64xi32, #tpu.memory_space<vmem>>, vector<16xi32>,
      %dma_start3A = arith.constant 0 : i32
      %dma_start3A_84 = arith.constant 0 : i32
      %dma_start3A_85 = tpu.memref_slice %arg2[%dma_start3A, %dma_start3A_84] : memref<32768x1024xf32, #tpu.memory_space<hbm>> -> memref<32768x1024xf32, #tpu.memory_space<hbm>>
      tpu.enqueue_indirect_dma source(%dma_start3A_85 : memref<32768x1024xf32, #tpu.memory_space<hbm>>) target(%arg7 : memref<64x1024xf32, #tpu.memory_space<vmem>>) offsets(%arg5 : memref<64xi32, #tpu.memory_space<vmem>>) semaphore(%arg8 : memref<!tpu.dma_semaphore, #tpu.memory_space<semaphore_mem>>)
      %dma_wait3A = arith.constant 0 : i32
      %dma_wait3A_86 = arith.constant 0 : i32
      %dma_wait3A_87 = tpu.memref_slice %arg2[%dma_wait3A, %dma_wait3A_86] : memref<32768x1024xf32, #tpu.memory_space<hbm>> -> memref<32768x1024xf32, #tpu.memory_space<hbm>>
      tpu.wait_indirect_dma semaphore(%arg8 : memref<!tpu.dma_semaphore, #tpu.memory_space<semaphore_mem>>) src(%dma_wait3A_87 : memref<32768x1024xf32, #tpu.memory_space<hbm>>) dst(%arg7 : memref<64x1024xf32, #tpu.memory_space<vmem>>)
      %dma_start3A_88 = arith.constant 0 : i32
      %dma_start3A_89 = arith.constant 0 : i32
      %dma_start3A_90 = tpu.memref_slice %arg4[%dma_start3A_88, %dma_start3A_89] : memref<16384x1024xf32, #tpu.memory_space<hbm>> -> memref<16384x1024xf32, #tpu.memory_space<hbm>>
      tpu.enqueue_indirect_dma source(%arg7 : memref<64x1024xf32, #tpu.memory_space<vmem>>) target(%dma_start3A_90 : memref<16384x1024xf32, #tpu.memory_space<hbm>>) offsets(%arg6 : memref<64xi32, #tpu.memory_space<vmem>>) semaphore(%arg9 : memref<!tpu.dma_semaphore, #tpu.memory_space<semaphore_mem>>)
      %dma_wait3A_91 = arith.constant 0 : i32
      %dma_wait3A_92 = arith.constant 0 : i32
      %dma_wait3A_93 = tpu.memref_slice %arg4[%dma_wait3A_91, %dma_wait3A_92] : memref<16384x1024xf32, #tpu.memory_space<hbm>> -> memref<16384x1024xf32, #tpu.memory_space<hbm>>
      tpu.wait_indirect_dma semaphore(%arg9 : memref<!tpu.dma_semaphore, #tpu.memory_space<semaphore_mem>>) src(%arg7 : memref<64x1024xf32, #tpu.memory_space<vmem>>) dst(%dma_wait3A_93 : memref<16384x1024xf32, #tpu.memory_space<hbm>>)
    }
    %scan3A_7 = arith.constant 8 : i32
    return
  }
}

module attributes {stable_mosaic.version = 14 : i64} {
  func.func @_gate_body(%arg0: i32, %arg1: memref<512x1024xf32, #tpu.memory_space<vmem>>, %arg2: memref<64x1024xf32, #tpu.memory_space<vmem>>, %arg3: memref<512x2xi32, #tpu.memory_space<vmem>>, %arg4: memref<512x2xf32, #tpu.memory_space<vmem>>, %arg5: memref<512x2xi32, #tpu.memory_space<vmem>>, %arg6: memref<1x64xi32, #tpu.memory_space<vmem>>, %arg7: memref<1x64xf32, #tpu.memory_space<vmem>>) attributes {dimension_semantics = [#tpu.dimension_semantics<arbitrary>], iteration_bounds = array<i64: 16>, scalar_prefetch = 0 : i64, scratch_operands = 1 : i64, tpu.core_type = #tpu.core_type<tc>, window_params = [{transform_indices = @transform_0, window_bounds = array<i64: 512, 1024>}, {pipeline_mode = #tpu.pipeline_mode<synchronous>, transform_indices = @transform_1, window_bounds = array<i64: 64, 1024>}, {transform_indices = @transform_2, window_bounds = array<i64: 512, 2>}, {transform_indices = @transform_3, window_bounds = array<i64: 512, 2>}, {transform_indices = @transform_4, window_bounds = array<i64: 512, 2>}, {pipeline_mode = #tpu.pipeline_mode<synchronous>, transform_indices = @transform_5, window_bounds = array<i64: 1, 64>}]} {
    %eq3A = arith.constant 0 : i32
    %eq3A_0 = arith.cmpi eq, %arg0, %eq3A : i32
    %convert_element_type3A = arith.extui %eq3A_0 : i1 to i32
    %cond3A = arith.constant 0 : i32
    %cond3A_1 = arith.cmpi ne, %convert_element_type3A, %cond3A : i32
    scf.if %cond3A_1 {
      %broadcast_in_dim3A_88 = arith.constant 0.000000e+00 : f32
      %broadcast_in_dim3A_89 = vector.broadcast %broadcast_in_dim3A_88 : f32 to vector<1x64xf32>
      %swap3A_90 = arith.constant 0 : index
      %swap3A_91 = arith.constant 0 : index
      %swap3A_92 = vector.load %arg7[%swap3A_90, %swap3A_91] : memref<1x64xf32, #tpu.memory_space<vmem>>, vector<1x64xf32>
      tpu.vector_store %arg7[%swap3A_90, %swap3A_91], %broadcast_in_dim3A_89 {strides = array<i32>} : memref<1x64xf32, #tpu.memory_space<vmem>>, vector<1x64xf32>,
    } else {
    }
    %get3A = arith.constant 0 : index
    %get3A_2 = arith.constant 0 : index
    %get3A_3 = vector.load %arg1[%get3A, %get3A_2] : memref<512x1024xf32, #tpu.memory_space<vmem>>, vector<512x1024xf32>
    %get3A_4 = arith.constant 0 : index
    %get3A_5 = arith.constant 0 : index
    %get3A_6 = vector.load %arg2[%get3A_4, %get3A_5] : memref<64x1024xf32, #tpu.memory_space<vmem>>, vector<64x1024xf32>
    %dot_general3A = arith.constant dense<0.000000e+00> : vector<512x64xf32>
    %dot_general3A_7 = tpu.matmul %get3A_3, %get3A_6, %dot_general3A {dimension_numbers = #tpu.dot_dimension_numbers<[1], [1], [0], [0], [0, 0, 1, 0], [], []>, transpose_lhs_hint = false} : vector<512x1024xf32>, vector<64x1024xf32>, vector<512x64xf32> -> vector<512x64xf32>
    %reduce_max3A = arith.constant dense<0xFF800000> : vector<512xf32>
    %reduce_max3A_8 = vector.multi_reduction <maximumf>, %dot_general3A_7, %reduce_max3A [1] : vector<512x64xf32> to vector<512xf32>
    %broadcast_in_dim3A = vector.shape_cast %reduce_max3A_8 : vector<512xf32> to vector<512x1xf32>
    %sub3A = vector.broadcast %broadcast_in_dim3A : vector<512x1xf32> to vector<512x64xf32>
    %sub3A_9 = arith.subf %dot_general3A_7, %sub3A : vector<512x64xf32>
    %exp3A = math.exp %sub3A_9 : vector<512x64xf32>
    %reduce_sum3A = arith.constant dense<0.000000e+00> : vector<512xf32>
    %reduce_sum3A_10 = vector.multi_reduction <add>, %exp3A, %reduce_sum3A [1] : vector<512x64xf32> to vector<512xf32>
    %broadcast_in_dim3A_11 = vector.shape_cast %reduce_sum3A_10 : vector<512xf32> to vector<512x1xf32>
    %div3A = vector.broadcast %broadcast_in_dim3A_11 : vector<512x1xf32> to vector<512x64xf32>
    %div3A_12 = arith.divf %exp3A, %div3A : vector<512x64xf32>
    %iota3A = tpu.iota {dimensions = array<i32: 1>} : vector<512x64xi32>
    %reduce_max3A_13 = arith.constant dense<0xFF800000> : vector<512xf32>
    %reduce_max3A_14 = vector.multi_reduction <maximumf>, %div3A_12, %reduce_max3A_13 [1] : vector<512x64xf32> to vector<512xf32>
    %broadcast_in_dim3A_15 = vector.shape_cast %reduce_max3A_14 : vector<512xf32> to vector<512x1xf32>
    %eq3A_16 = vector.broadcast %broadcast_in_dim3A_15 : vector<512x1xf32> to vector<512x64xf32>
    %eq3A_17 = arith.cmpf oeq, %div3A_12, %eq3A_16 : vector<512x64xf32>
    %jit3A = arith.constant 64 : i32
    %broadcast_in_dim3A_18 = vector.broadcast %jit3A : i32 to vector<512x64xi32>
    %select_n3A = arith.select %eq3A_17, %iota3A, %broadcast_in_dim3A_18 : vector<512x64xi1>, vector<512x64xi32>
    %reduce_min3A = arith.constant dense<2147483647> : vector<512xi32>
    %reduce_min3A_19 = vector.multi_reduction <minsi>, %select_n3A, %reduce_min3A [1] : vector<512x64xi32> to vector<512xi32>
    %broadcast_in_dim3A_20 = vector.shape_cast %reduce_min3A_19 : vector<512xi32> to vector<512x1xi32>
    %eq3A_21 = vector.broadcast %broadcast_in_dim3A_20 : vector<512x1xi32> to vector<512x64xi32>
    %eq3A_22 = arith.cmpi eq, %iota3A, %eq3A_21 : vector<512x64xi32>
    %jit3A_23 = arith.constant -3.40282347E+38 : f32
    %broadcast_in_dim3A_24 = vector.broadcast %jit3A_23 : f32 to vector<512x64xf32>
    %select_n3A_25 = arith.select %eq3A_22, %broadcast_in_dim3A_24, %div3A_12 : vector<512x64xi1>, vector<512x64xf32>
    %reduce_max3A_26 = arith.constant dense<0xFF800000> : vector<512xf32>
    %reduce_max3A_27 = vector.multi_reduction <maximumf>, %select_n3A_25, %reduce_max3A_26 [1] : vector<512x64xf32> to vector<512xf32>
    %broadcast_in_dim3A_28 = vector.shape_cast %reduce_max3A_27 : vector<512xf32> to vector<512x1xf32>
    %eq3A_29 = vector.broadcast %broadcast_in_dim3A_28 : vector<512x1xf32> to vector<512x64xf32>
    %eq3A_30 = arith.cmpf oeq, %select_n3A_25, %eq3A_29 : vector<512x64xf32>
    %jit3A_31 = arith.constant 64 : i32
    %broadcast_in_dim3A_32 = vector.broadcast %jit3A_31 : i32 to vector<512x64xi32>
    %select_n3A_33 = arith.select %eq3A_30, %iota3A, %broadcast_in_dim3A_32 : vector<512x64xi1>, vector<512x64xi32>
    %reduce_min3A_34 = arith.constant dense<2147483647> : vector<512xi32>
    %reduce_min3A_35 = vector.multi_reduction <minsi>, %select_n3A_33, %reduce_min3A_34 [1] : vector<512x64xi32> to vector<512xi32>
    %broadcast_in_dim3A_36 = vector.shape_cast %reduce_min3A_35 : vector<512xi32> to vector<512x1xi32>
    %eq3A_37 = vector.broadcast %broadcast_in_dim3A_20 : vector<512x1xi32> to vector<512x64xi32>
    %eq3A_38 = arith.cmpi eq, %iota3A, %eq3A_37 : vector<512x64xi32>
    %convert_element_type3A_39 = arith.extui %eq3A_38 : vector<512x64xi1> to vector<512x64xi32>
    %convert_element_type3A_40 = arith.sitofp %convert_element_type3A_39 : vector<512x64xi32> to vector<512x64xf32>
    %eq3A_41 = vector.broadcast %broadcast_in_dim3A_36 : vector<512x1xi32> to vector<512x64xi32>
    %eq3A_42 = arith.cmpi eq, %iota3A, %eq3A_41 : vector<512x64xi32>
    %convert_element_type3A_43 = arith.extui %eq3A_42 : vector<512x64xi1> to vector<512x64xi32>
    %convert_element_type3A_44 = arith.sitofp %convert_element_type3A_43 : vector<512x64xi32> to vector<512x64xf32>
    %add3A = arith.addf %convert_element_type3A_40, %convert_element_type3A_44 : vector<512x64xf32>
    %iota3A_45 = tpu.iota {dimensions = array<i32: 0>} : vector<512x512xi32>
    %iota3A_46 = tpu.iota {dimensions = array<i32: 1>} : vector<512x512xi32>
    %gt3A = arith.cmpi sgt, %iota3A_45, %iota3A_46 : vector<512x512xi32>
    %convert_element_type3A_47 = arith.extui %gt3A : vector<512x512xi1> to vector<512x512xi32>
    %convert_element_type3A_48 = arith.sitofp %convert_element_type3A_47 : vector<512x512xi32> to vector<512x512xf32>
    %dot_general3A_49 = arith.constant dense<0.000000e+00> : vector<512x64xf32>
    %dot_general3A_50 = tpu.matmul %convert_element_type3A_48, %add3A, %dot_general3A_49 {dimension_numbers = #tpu.dot_dimension_numbers<[1], [0], [0], [1], [0, 0, 1, 1], [], []>, transpose_lhs_hint = false} : vector<512x512xf32>, vector<512x64xf32>, vector<512x64xf32> -> vector<512x64xf32>
    %get3A_51 = arith.constant 0 : index
    %get3A_52 = arith.constant 0 : index
    %get3A_53 = vector.load %arg7[%get3A_51, %get3A_52] : memref<1x64xf32, #tpu.memory_space<vmem>>, vector<1x64xf32>
    %add3A_54 = vector.broadcast %get3A_53 : vector<1x64xf32> to vector<512x64xf32>
    %add3A_55 = arith.addf %dot_general3A_50, %add3A_54 : vector<512x64xf32>
    %mul3A = arith.mulf %convert_element_type3A_40, %add3A_55 : vector<512x64xf32>
    %reduce_sum3A_56 = arith.constant dense<0.000000e+00> : vector<512xf32>
    %reduce_sum3A_57 = vector.multi_reduction <add>, %mul3A, %reduce_sum3A_56 [1] : vector<512x64xf32> to vector<512xf32>
    %broadcast_in_dim3A_58 = vector.shape_cast %reduce_sum3A_57 : vector<512xf32> to vector<512x1xf32>
    %mul3A_59 = arith.mulf %convert_element_type3A_44, %add3A_55 : vector<512x64xf32>
    %reduce_sum3A_60 = arith.constant dense<0.000000e+00> : vector<512xf32>
    %reduce_sum3A_61 = vector.multi_reduction <add>, %mul3A_59, %reduce_sum3A_60 [1] : vector<512x64xf32> to vector<512xf32>
    %broadcast_in_dim3A_62 = vector.shape_cast %reduce_sum3A_61 : vector<512xf32> to vector<512x1xf32>
    %get3A_63 = arith.constant 0 : index
    %get3A_64 = arith.constant 0 : index
    %get3A_65 = vector.load %arg7[%get3A_63, %get3A_64] : memref<1x64xf32, #tpu.memory_space<vmem>>, vector<1x64xf32>
    %reduce_sum3A_66 = arith.constant dense<0.000000e+00> : vector<64xf32>
    %reduce_sum3A_67 = vector.multi_reduction <add>, %add3A, %reduce_sum3A_66 [0] : vector<512x64xf32> to vector<64xf32>
    %broadcast_in_dim3A_68 = vector.shape_cast %reduce_sum3A_67 : vector<64xf32> to vector<1x64xf32>
    %add3A_69 = arith.addf %get3A_65, %broadcast_in_dim3A_68 : vector<1x64xf32>
    %swap3A = arith.constant 0 : index
    %swap3A_70 = arith.constant 0 : index
    %swap3A_71 = vector.load %arg7[%swap3A, %swap3A_70] : memref<1x64xf32, #tpu.memory_space<vmem>>, vector<1x64xf32>
    tpu.vector_store %arg7[%swap3A, %swap3A_70], %add3A_69 {strides = array<i32>} : memref<1x64xf32, #tpu.memory_space<vmem>>, vector<1x64xf32>,
    %concatenate3A = tpu.concatenate %broadcast_in_dim3A_20, %broadcast_in_dim3A_36 in 1 : vector<512x1xi32>, vector<512x1xi32> -> vector<512x2xi32>
    %swap3A_72 = arith.constant 0 : index
    %swap3A_73 = arith.constant 0 : index
    %swap3A_74 = vector.load %arg3[%swap3A_72, %swap3A_73] : memref<512x2xi32, #tpu.memory_space<vmem>>, vector<512x2xi32>
    tpu.vector_store %arg3[%swap3A_72, %swap3A_73], %concatenate3A {strides = array<i32>} : memref<512x2xi32, #tpu.memory_space<vmem>>, vector<512x2xi32>,
    %concatenate3A_75 = tpu.concatenate %broadcast_in_dim3A_15, %broadcast_in_dim3A_28 in 1 : vector<512x1xf32>, vector<512x1xf32> -> vector<512x2xf32>
    %swap3A_76 = arith.constant 0 : index
    %swap3A_77 = arith.constant 0 : index
    %swap3A_78 = vector.load %arg4[%swap3A_76, %swap3A_77] : memref<512x2xf32, #tpu.memory_space<vmem>>, vector<512x2xf32>
    tpu.vector_store %arg4[%swap3A_76, %swap3A_77], %concatenate3A_75 {strides = array<i32>} : memref<512x2xf32, #tpu.memory_space<vmem>>, vector<512x2xf32>,
    %concatenate3A_79 = tpu.concatenate %broadcast_in_dim3A_58, %broadcast_in_dim3A_62 in 1 : vector<512x1xf32>, vector<512x1xf32> -> vector<512x2xf32>
    %convert_element_type3A_80 = arith.fptosi %concatenate3A_79 : vector<512x2xf32> to vector<512x2xi32>
    %swap3A_81 = arith.constant 0 : index
    %swap3A_82 = arith.constant 0 : index
    %swap3A_83 = vector.load %arg5[%swap3A_81, %swap3A_82] : memref<512x2xi32, #tpu.memory_space<vmem>>, vector<512x2xi32>
    tpu.vector_store %arg5[%swap3A_81, %swap3A_82], %convert_element_type3A_80 {strides = array<i32>} : memref<512x2xi32, #tpu.memory_space<vmem>>, vector<512x2xi32>,
    %convert_element_type3A_84 = arith.fptosi %add3A_69 : vector<1x64xf32> to vector<1x64xi32>
    %swap3A_85 = arith.constant 0 : index
    %swap3A_86 = arith.constant 0 : index
    %swap3A_87 = vector.load %arg6[%swap3A_85, %swap3A_86] : memref<1x64xi32, #tpu.memory_space<vmem>>, vector<1x64xi32>
    tpu.vector_store %arg6[%swap3A_85, %swap3A_86], %convert_element_type3A_84 {strides = array<i32>} : memref<1x64xi32, #tpu.memory_space<vmem>>, vector<1x64xi32>,
    return
  }
  func.func @transform_0(%arg0: i32) -> (i32, i32) {
    %c0_i32 = arith.constant 0 : i32
    %c0_i32_0 = arith.constant 0 : i32
    return %arg0, %c0_i32 : i32, i32
  }
  func.func @transform_1(%arg0: i32) -> (i32, i32) {
    %c0_i32 = arith.constant 0 : i32
    %c0_i32_0 = arith.constant 0 : i32
    %c0_i32_1 = arith.constant 0 : i32
    return %c0_i32, %c0_i32_0 : i32, i32
  }
  func.func @transform_2(%arg0: i32) -> (i32, i32) {
    %c0_i32 = arith.constant 0 : i32
    %c0_i32_0 = arith.constant 0 : i32
    return %arg0, %c0_i32 : i32, i32
  }
  func.func @transform_3(%arg0: i32) -> (i32, i32) {
    %c0_i32 = arith.constant 0 : i32
    %c0_i32_0 = arith.constant 0 : i32
    return %arg0, %c0_i32 : i32, i32
  }
  func.func @transform_4(%arg0: i32) -> (i32, i32) {
    %c0_i32 = arith.constant 0 : i32
    %c0_i32_0 = arith.constant 0 : i32
    return %arg0, %c0_i32 : i32, i32
  }
  func.func @transform_5(%arg0: i32) -> (i32, i32) {
    %c0_i32 = arith.constant 0 : i32
    %c0_i32_0 = arith.constant 0 : i32
    %c0_i32_1 = arith.constant 0 : i32
    return %c0_i32, %c0_i32_0 : i32, i32
  }
}

module attributes {stable_mosaic.version = 14 : i64} {
  func.func @_slot_body(%arg0: i32, %arg1: memref<8192x2xi32, #tpu.memory_space<vmem>>, %arg2: memref<8192x2xi32, #tpu.memory_space<vmem>>, %arg3: memref<1x64xi32, #tpu.memory_space<vmem>>, %arg4: memref<8192x2xi32, #tpu.memory_space<vmem>>, %arg5: memref<1x128xi32, #tpu.memory_space<vmem>>, %arg6: memref<1x128xi32, #tpu.memory_space<vmem>>) attributes {dimension_semantics = [#tpu.dimension_semantics<arbitrary>], iteration_bounds = array<i64: 1>, scalar_prefetch = 0 : i64, scratch_operands = 0 : i64, tpu.core_type = #tpu.core_type<tc>, window_params = [{pipeline_mode = #tpu.pipeline_mode<synchronous>, transform_indices = @transform_0, window_bounds = array<i64: 8192, 2>}, {pipeline_mode = #tpu.pipeline_mode<synchronous>, transform_indices = @transform_1, window_bounds = array<i64: 8192, 2>}, {pipeline_mode = #tpu.pipeline_mode<synchronous>, transform_indices = @transform_2, window_bounds = array<i64: 1, 64>}, {pipeline_mode = #tpu.pipeline_mode<synchronous>, transform_indices = @transform_3, window_bounds = array<i64: 8192, 2>}, {pipeline_mode = #tpu.pipeline_mode<synchronous>, transform_indices = @transform_4, window_bounds = array<i64: 1, 128>}, {pipeline_mode = #tpu.pipeline_mode<synchronous>, transform_indices = @transform_5, window_bounds = array<i64: 1, 128>}]} {
    %get3A = arith.constant 0 : index
    %get3A_0 = arith.constant 0 : index
    %get3A_1 = vector.load %arg3[%get3A, %get3A_0] : memref<1x64xi32, #tpu.memory_space<vmem>>, vector<1x64xi32>
    %convert_element_type3A = arith.sitofp %get3A_1 : vector<1x64xi32> to vector<1x64xf32>
    %add3A = arith.constant 2.550000e+02 : f32
    %add3A_2 = vector.broadcast %add3A : f32 to vector<1x64xf32>
    %add3A_3 = arith.addf %convert_element_type3A, %add3A_2 : vector<1x64xf32>
    %mul3A = arith.constant 3.906250e-03 : f32
    %mul3A_4 = vector.broadcast %mul3A : f32 to vector<1x64xf32>
    %mul3A_5 = arith.mulf %add3A_3, %mul3A_4 : vector<1x64xf32>
    %floor3A = math.floor %mul3A_5 : vector<1x64xf32>
    %mul3A_6 = arith.constant 2.560000e+02 : f32
    %mul3A_7 = vector.broadcast %mul3A_6 : f32 to vector<1x64xf32>
    %mul3A_8 = arith.mulf %floor3A, %mul3A_7 : vector<1x64xf32>
    %iota3A = tpu.iota {dimensions = array<i32: 0>} : vector<64x64xi32>
    %iota3A_9 = tpu.iota {dimensions = array<i32: 1>} : vector<64x64xi32>
    %lt3A = arith.cmpi slt, %iota3A, %iota3A_9 : vector<64x64xi32>
    %convert_element_type3A_10 = arith.extui %lt3A : vector<64x64xi1> to vector<64x64xi32>
    %convert_element_type3A_11 = arith.sitofp %convert_element_type3A_10 : vector<64x64xi32> to vector<64x64xf32>
    %dot_general3A = arith.constant dense<0.000000e+00> : vector<1x64xf32>
    %dot_general3A_12 = tpu.matmul %mul3A_8, %convert_element_type3A_11, %dot_general3A {dimension_numbers = #tpu.dot_dimension_numbers<[1], [0], [0], [1], [0, 0, 1, 1], [], []>, transpose_lhs_hint = false} : vector<1x64xf32>, vector<64x64xf32>, vector<1x64xf32> -> vector<1x64xf32>
    %iota3A_13 = tpu.iota {dimensions = array<i32: 1>} : vector<8192x64xi32>
    %get3A_14 = arith.constant 0 : index
    %get3A_15 = arith.constant 0 : index
    %get3A_16 = vector.load %arg1[%get3A_14, %get3A_15] : memref<8192x2xi32, #tpu.memory_space<vmem>>, vector<8192x1xi32>
    %eq3A = vector.broadcast %get3A_16 : vector<8192x1xi32> to vector<8192x64xi32>
    %eq3A_17 = arith.cmpi eq, %iota3A_13, %eq3A : vector<8192x64xi32>
    %convert_element_type3A_18 = arith.extui %eq3A_17 : vector<8192x64xi1> to vector<8192x64xi32>
    %convert_element_type3A_19 = arith.sitofp %convert_element_type3A_18 : vector<8192x64xi32> to vector<8192x64xf32>
    %get3A_20 = arith.constant 0 : index
    %get3A_21 = arith.constant 1 : index
    %get3A_22 = vector.load %arg1[%get3A_20, %get3A_21] : memref<8192x2xi32, #tpu.memory_space<vmem>>, vector<8192x1xi32>
    %eq3A_23 = vector.broadcast %get3A_22 : vector<8192x1xi32> to vector<8192x64xi32>
    %eq3A_24 = arith.cmpi eq, %iota3A_13, %eq3A_23 : vector<8192x64xi32>
    %convert_element_type3A_25 = arith.extui %eq3A_24 : vector<8192x64xi1> to vector<8192x64xi32>
    %convert_element_type3A_26 = arith.sitofp %convert_element_type3A_25 : vector<8192x64xi32> to vector<8192x64xf32>
    %dot_general3A_27 = arith.constant dense<0.000000e+00> : vector<8192x1xf32>
    %dot_general3A_28 = tpu.matmul %convert_element_type3A_19, %dot_general3A_12, %dot_general3A_27 {dimension_numbers = #tpu.dot_dimension_numbers<[1], [1], [0], [0], [0, 0, 1, 0], [], []>, transpose_lhs_hint = false} : vector<8192x64xf32>, vector<1x64xf32>, vector<8192x1xf32> -> vector<8192x1xf32>
    %dot_general3A_29 = arith.constant dense<0.000000e+00> : vector<8192x1xf32>
    %dot_general3A_30 = tpu.matmul %convert_element_type3A_26, %dot_general3A_12, %dot_general3A_29 {dimension_numbers = #tpu.dot_dimension_numbers<[1], [1], [0], [0], [0, 0, 1, 0], [], []>, transpose_lhs_hint = false} : vector<8192x64xf32>, vector<1x64xf32>, vector<8192x1xf32> -> vector<8192x1xf32>
    %concatenate3A = tpu.concatenate %dot_general3A_28, %dot_general3A_30 in 1 : vector<8192x1xf32>, vector<8192x1xf32> -> vector<8192x2xf32>
    %convert_element_type3A_31 = arith.fptosi %concatenate3A : vector<8192x2xf32> to vector<8192x2xi32>
    %get3A_32 = arith.constant 0 : index
    %get3A_33 = arith.constant 0 : index
    %get3A_34 = vector.load %arg2[%get3A_32, %get3A_33] : memref<8192x2xi32, #tpu.memory_space<vmem>>, vector<8192x2xi32>
    %add3A_35 = arith.addi %convert_element_type3A_31, %get3A_34 : vector<8192x2xi32>
    %swap3A = arith.constant 0 : index
    %swap3A_36 = arith.constant 0 : index
    %swap3A_37 = vector.load %arg4[%swap3A, %swap3A_36] : memref<8192x2xi32, #tpu.memory_space<vmem>>, vector<8192x2xi32>
    tpu.vector_store %arg4[%swap3A, %swap3A_36], %add3A_35 {strides = array<i32>} : memref<8192x2xi32, #tpu.memory_space<vmem>>, vector<8192x2xi32>,
    %eq3A_38 = arith.cmpi eq, %iota3A, %iota3A_9 : vector<64x64xi32>
    %convert_element_type3A_39 = arith.extui %eq3A_38 : vector<64x64xi1> to vector<64x64xi32>
    %convert_element_type3A_40 = arith.sitofp %convert_element_type3A_39 : vector<64x64xi32> to vector<64x64xf32>
    %gt3A = arith.cmpi sgt, %iota3A, %iota3A_9 : vector<64x64xi32>
    %convert_element_type3A_41 = arith.extui %gt3A : vector<64x64xi1> to vector<64x64xi32>
    %convert_element_type3A_42 = arith.sitofp %convert_element_type3A_41 : vector<64x64xi32> to vector<64x64xf32>
    %ge3A = arith.cmpi sge, %iota3A, %iota3A_9 : vector<64x64xi32>
    %convert_element_type3A_43 = arith.extui %ge3A : vector<64x64xi1> to vector<64x64xi32>
    %convert_element_type3A_44 = arith.sitofp %convert_element_type3A_43 : vector<64x64xi32> to vector<64x64xf32>
    %dot_general3A_45 = arith.constant dense<0.000000e+00> : vector<64x1xf32>
    %dot_general3A_46 = tpu.matmul %convert_element_type3A_44, %mul3A_8, %dot_general3A_45 {dimension_numbers = #tpu.dot_dimension_numbers<[1], [1], [0], [0], [0, 0, 1, 0], [], []>, transpose_lhs_hint = false} : vector<64x64xf32>, vector<1x64xf32>, vector<64x1xf32> -> vector<64x1xf32>
    %dot_general3A_47 = arith.constant dense<0.000000e+00> : vector<64x1xf32>
    %dot_general3A_48 = tpu.matmul %convert_element_type3A_42, %mul3A_8, %dot_general3A_47 {dimension_numbers = #tpu.dot_dimension_numbers<[1], [1], [0], [0], [0, 0, 1, 0], [], []>, transpose_lhs_hint = false} : vector<64x64xf32>, vector<1x64xf32>, vector<64x1xf32> -> vector<64x1xf32>
    %dot_general3A_49 = arith.constant dense<0.000000e+00> : vector<64x1xf32>
    %dot_general3A_50 = tpu.matmul %convert_element_type3A_40, %convert_element_type3A, %dot_general3A_49 {dimension_numbers = #tpu.dot_dimension_numbers<[1], [1], [0], [0], [0, 0, 1, 0], [], []>, transpose_lhs_hint = false} : vector<64x64xf32>, vector<1x64xf32>, vector<64x1xf32> -> vector<64x1xf32>
    %add3A_51 = arith.addf %dot_general3A_48, %dot_general3A_50 : vector<64x1xf32>
    %iota3A_52 = tpu.iota {dimensions = array<i32: 1>} : vector<64x128xi32>
    %mul3A_53 = arith.constant 256 : i32
    %mul3A_54 = vector.broadcast %mul3A_53 : i32 to vector<64x128xi32>
    %mul3A_55 = arith.muli %iota3A_52, %mul3A_54 : vector<64x128xi32>
    %convert_element_type3A_56 = arith.sitofp %mul3A_55 : vector<64x128xi32> to vector<64x128xf32>
    %le3A = vector.broadcast %dot_general3A_46 : vector<64x1xf32> to vector<64x128xf32>
    %le3A_57 = arith.cmpf ole, %le3A, %convert_element_type3A_56 : vector<64x128xf32>
    %convert_element_type3A_58 = arith.extui %le3A_57 : vector<64x128xi1> to vector<64x128xi32>
    %convert_element_type3A_59 = arith.sitofp %convert_element_type3A_58 : vector<64x128xi32> to vector<64x128xf32>
    %reduce_sum3A = arith.constant dense<0.000000e+00> : vector<128xf32>
    %reduce_sum3A_60 = vector.multi_reduction <add>, %convert_element_type3A_59, %reduce_sum3A [0] : vector<64x128xf32> to vector<128xf32>
    %broadcast_in_dim3A = vector.shape_cast %reduce_sum3A_60 : vector<128xf32> to vector<1x128xf32>
    %le3A_61 = vector.broadcast %dot_general3A_48 : vector<64x1xf32> to vector<64x128xf32>
    %le3A_62 = arith.cmpf ole, %le3A_61, %convert_element_type3A_56 : vector<64x128xf32>
    %lt3A_63 = vector.broadcast %add3A_51 : vector<64x1xf32> to vector<64x128xf32>
    %lt3A_64 = arith.cmpf olt, %convert_element_type3A_56, %lt3A_63 : vector<64x128xf32>
    %and3A = arith.andi %le3A_62, %lt3A_64 : vector<64x128xi1>
    %convert_element_type3A_65 = arith.extui %and3A : vector<64x128xi1> to vector<64x128xi32>
    %convert_element_type3A_66 = arith.sitofp %convert_element_type3A_65 : vector<64x128xi32> to vector<64x128xf32>
    %reduce_sum3A_67 = arith.constant dense<0.000000e+00> : vector<128xf32>
    %reduce_sum3A_68 = vector.multi_reduction <add>, %convert_element_type3A_66, %reduce_sum3A_67 [0] : vector<64x128xf32> to vector<128xf32>
    %broadcast_in_dim3A_69 = vector.shape_cast %reduce_sum3A_68 : vector<128xf32> to vector<1x128xf32>
    %min3A = arith.constant 6.300000e+01 : f32
    %min3A_70 = vector.broadcast %min3A : f32 to vector<1x128xf32>
    %min3A_71 = arith.minimumf %broadcast_in_dim3A, %min3A_70 : vector<1x128xf32>
    %convert_element_type3A_72 = arith.fptosi %min3A_71 : vector<1x128xf32> to vector<1x128xi32>
    %swap3A_73 = arith.constant 0 : index
    %swap3A_74 = arith.constant 0 : index
    %swap3A_75 = vector.load %arg5[%swap3A_73, %swap3A_74] : memref<1x128xi32, #tpu.memory_space<vmem>>, vector<1x128xi32>
    tpu.vector_store %arg5[%swap3A_73, %swap3A_74], %convert_element_type3A_72 {strides = array<i32>} : memref<1x128xi32, #tpu.memory_space<vmem>>, vector<1x128xi32>,
    %convert_element_type3A_76 = arith.fptosi %broadcast_in_dim3A_69 : vector<1x128xf32> to vector<1x128xi32>
    %swap3A_77 = arith.constant 0 : index
    %swap3A_78 = arith.constant 0 : index
    %swap3A_79 = vector.load %arg6[%swap3A_77, %swap3A_78] : memref<1x128xi32, #tpu.memory_space<vmem>>, vector<1x128xi32>
    tpu.vector_store %arg6[%swap3A_77, %swap3A_78], %convert_element_type3A_76 {strides = array<i32>} : memref<1x128xi32, #tpu.memory_space<vmem>>, vector<1x128xi32>,
    return
  }
  func.func @transform_0(%arg0: i32) -> (i32, i32) {
    %c0_i32 = arith.constant 0 : i32
    %c0_i32_0 = arith.constant 0 : i32
    %c0_i32_1 = arith.constant 0 : i32
    return %c0_i32, %c0_i32_0 : i32, i32
  }
  func.func @transform_1(%arg0: i32) -> (i32, i32) {
    %c0_i32 = arith.constant 0 : i32
    %c0_i32_0 = arith.constant 0 : i32
    %c0_i32_1 = arith.constant 0 : i32
    return %c0_i32, %c0_i32_0 : i32, i32
  }
  func.func @transform_2(%arg0: i32) -> (i32, i32) {
    %c0_i32 = arith.constant 0 : i32
    %c0_i32_0 = arith.constant 0 : i32
    %c0_i32_1 = arith.constant 0 : i32
    return %c0_i32, %c0_i32_0 : i32, i32
  }
  func.func @transform_3(%arg0: i32) -> (i32, i32) {
    %c0_i32 = arith.constant 0 : i32
    %c0_i32_0 = arith.constant 0 : i32
    %c0_i32_1 = arith.constant 0 : i32
    return %c0_i32, %c0_i32_0 : i32, i32
  }
  func.func @transform_4(%arg0: i32) -> (i32, i32) {
    %c0_i32 = arith.constant 0 : i32
    %c0_i32_0 = arith.constant 0 : i32
    %c0_i32_1 = arith.constant 0 : i32
    return %c0_i32, %c0_i32_0 : i32, i32
  }
  func.func @transform_5(%arg0: i32) -> (i32, i32) {
    %c0_i32 = arith.constant 0 : i32
    %c0_i32_0 = arith.constant 0 : i32
    %c0_i32_1 = arith.constant 0 : i32
    return %c0_i32, %c0_i32_0 : i32, i32
  }
}

module attributes {stable_mosaic.version = 14 : i64} {
  func.func @_group_body(%arg0: i32, %arg1: memref<128xi32, #tpu.memory_space<smem>>, %arg2: memref<128xi32, #tpu.memory_space<smem>>, %arg3: memref<256x1024xf32, #tpu.memory_space<vmem>>, %arg4: memref<1x512x1024xf32, #tpu.memory_space<vmem>>, %arg5: memref<1x512x1024xf32, #tpu.memory_space<vmem>>, %arg6: memref<1x1024x512xf32, #tpu.memory_space<vmem>>, %arg7: memref<256x1024xf32, #tpu.memory_space<vmem>>) attributes {dimension_semantics = [#tpu.dimension_semantics<arbitrary>], iteration_bounds = array<i64: 128>, scalar_prefetch = 2 : i64, scratch_operands = 0 : i64, tpu.core_type = #tpu.core_type<tc>, window_params = [{transform_indices = @transform_0, window_bounds = array<i64: 256, 1024>}, {transform_indices = @transform_1, window_bounds = array<i64: 1, 512, 1024>}, {transform_indices = @transform_2, window_bounds = array<i64: 1, 512, 1024>}, {transform_indices = @transform_3, window_bounds = array<i64: 1, 1024, 512>}, {transform_indices = @transform_4, window_bounds = array<i64: 256, 1024>}]} {
    %get3A = arith.index_cast %arg0 : i32 to index
    %get3A_0 = memref.load %arg2[%get3A] : memref<128xi32, #tpu.memory_space<smem>>
    %eq3A = arith.constant 1 : i32
    %eq3A_1 = arith.cmpi eq, %get3A_0, %eq3A : i32
    %convert_element_type3A = arith.extui %eq3A_1 : i1 to i32
    %cond3A = arith.constant 0 : i32
    %cond3A_2 = arith.cmpi ne, %convert_element_type3A, %cond3A : i32
    scf.if %cond3A_2 {
      %get3A_3 = arith.constant 0 : index
      %get3A_4 = arith.constant 0 : index
      %get3A_5 = vector.load %arg3[%get3A_3, %get3A_4] : memref<256x1024xf32, #tpu.memory_space<vmem>>, vector<256x1024xf32>
      %convert_element_type3A_6 = arith.truncf %get3A_5 : vector<256x1024xf32> to vector<256x1024xbf16>
      %get3A_7 = arith.constant 0 : index
      %get3A_8 = arith.constant 0 : index
      %get3A_9 = arith.constant 0 : index
      %get3A_10 = vector.load %arg4[%get3A_7, %get3A_8, %get3A_9] : memref<1x512x1024xf32, #tpu.memory_space<vmem>>, vector<1x512x1024xf32>
      %get3A_11 = vector.shape_cast %get3A_10 : vector<1x512x1024xf32> to vector<512x1024xf32>
      %convert_element_type3A_12 = arith.truncf %get3A_11 : vector<512x1024xf32> to vector<512x1024xbf16>
      %get3A_13 = arith.constant 0 : index
      %get3A_14 = arith.constant 0 : index
      %get3A_15 = arith.constant 0 : index
      %get3A_16 = vector.load %arg5[%get3A_13, %get3A_14, %get3A_15] : memref<1x512x1024xf32, #tpu.memory_space<vmem>>, vector<1x512x1024xf32>
      %get3A_17 = vector.shape_cast %get3A_16 : vector<1x512x1024xf32> to vector<512x1024xf32>
      %convert_element_type3A_18 = arith.truncf %get3A_17 : vector<512x1024xf32> to vector<512x1024xbf16>
      %dot_general3A = arith.constant dense<0.000000e+00> : vector<256x512xf32>
      %dot_general3A_19 = tpu.matmul %convert_element_type3A_6, %convert_element_type3A_12, %dot_general3A {dimension_numbers = #tpu.dot_dimension_numbers<[1], [1], [0], [0], [0, 0, 1, 0], [], []>, transpose_lhs_hint = false} : vector<256x1024xbf16>, vector<512x1024xbf16>, vector<256x512xf32> -> vector<256x512xf32>
      %dot_general3A_20 = arith.constant dense<0.000000e+00> : vector<256x512xf32>
      %dot_general3A_21 = tpu.matmul %convert_element_type3A_6, %convert_element_type3A_18, %dot_general3A_20 {dimension_numbers = #tpu.dot_dimension_numbers<[1], [1], [0], [0], [0, 0, 1, 0], [], []>, transpose_lhs_hint = false} : vector<256x1024xbf16>, vector<512x1024xbf16>, vector<256x512xf32> -> vector<256x512xf32>
      %logistic3A = arith.negf %dot_general3A_19 : vector<256x512xf32>
      %logistic3A_22 = math.exp %logistic3A : vector<256x512xf32>
      %logistic3A_23 = arith.constant 1.000000e+00 : f32
      %logistic3A_24 = vector.broadcast %logistic3A_23 : f32 to vector<256x512xf32>
      %logistic3A_25 = arith.addf %logistic3A_24, %logistic3A_22 : vector<256x512xf32>
      %logistic3A_26 = arith.divf %logistic3A_24, %logistic3A_25 : vector<256x512xf32>
      %mul3A = arith.mulf %dot_general3A_19, %logistic3A_26 : vector<256x512xf32>
      %mul3A_27 = arith.mulf %mul3A, %dot_general3A_21 : vector<256x512xf32>
      %convert_element_type3A_28 = arith.truncf %mul3A_27 : vector<256x512xf32> to vector<256x512xbf16>
      %get3A_29 = arith.constant 0 : index
      %get3A_30 = arith.constant 0 : index
      %get3A_31 = arith.constant 0 : index
      %get3A_32 = vector.load %arg6[%get3A_29, %get3A_30, %get3A_31] : memref<1x1024x512xf32, #tpu.memory_space<vmem>>, vector<1x1024x512xf32>
      %get3A_33 = vector.shape_cast %get3A_32 : vector<1x1024x512xf32> to vector<1024x512xf32>
      %convert_element_type3A_34 = arith.truncf %get3A_33 : vector<1024x512xf32> to vector<1024x512xbf16>
      %dot_general3A_35 = arith.constant dense<0.000000e+00> : vector<256x1024xf32>
      %dot_general3A_36 = tpu.matmul %convert_element_type3A_28, %convert_element_type3A_34, %dot_general3A_35 {dimension_numbers = #tpu.dot_dimension_numbers<[1], [1], [0], [0], [0, 0, 1, 0], [], []>, transpose_lhs_hint = false} : vector<256x512xbf16>, vector<1024x512xbf16>, vector<256x1024xf32> -> vector<256x1024xf32>
      %swap3A = arith.constant 0 : index
      %swap3A_37 = arith.constant 0 : index
      %swap3A_38 = vector.load %arg7[%swap3A, %swap3A_37] : memref<256x1024xf32, #tpu.memory_space<vmem>>, vector<256x1024xf32>
      tpu.vector_store %arg7[%swap3A, %swap3A_37], %dot_general3A_36 {strides = array<i32>} : memref<256x1024xf32, #tpu.memory_space<vmem>>, vector<256x1024xf32>,
    } else {
    }
    return
  }
  func.func @transform_0(%arg0: i32, %arg1: memref<128xi32, #tpu.memory_space<smem>>, %arg2: memref<128xi32, #tpu.memory_space<smem>>) -> (i32, i32) {
    %c0_i32 = arith.constant 0 : i32
    %c0_i32_0 = arith.constant 0 : i32
    return %arg0, %c0_i32 : i32, i32
  }
  func.func @transform_1(%arg0: i32, %arg1: memref<128xi32, #tpu.memory_space<smem>>, %arg2: memref<128xi32, #tpu.memory_space<smem>>) -> (i32, i32, i32) {
    %get3A = arith.index_cast %arg0 : i32 to index
    %get3A_0 = memref.load %arg1[%get3A] : memref<128xi32, #tpu.memory_space<smem>>
    %c0_i32 = arith.constant 0 : i32
    %c0_i32_1 = arith.constant 0 : i32
    %c0_i32_2 = arith.constant 0 : i32
    return %get3A_0, %c0_i32, %c0_i32_1 : i32, i32, i32
  }
  func.func @transform_2(%arg0: i32, %arg1: memref<128xi32, #tpu.memory_space<smem>>, %arg2: memref<128xi32, #tpu.memory_space<smem>>) -> (i32, i32, i32) {
    %get3A = arith.index_cast %arg0 : i32 to index
    %get3A_0 = memref.load %arg1[%get3A] : memref<128xi32, #tpu.memory_space<smem>>
    %c0_i32 = arith.constant 0 : i32
    %c0_i32_1 = arith.constant 0 : i32
    %c0_i32_2 = arith.constant 0 : i32
    return %get3A_0, %c0_i32, %c0_i32_1 : i32, i32, i32
  }
  func.func @transform_3(%arg0: i32, %arg1: memref<128xi32, #tpu.memory_space<smem>>, %arg2: memref<128xi32, #tpu.memory_space<smem>>) -> (i32, i32, i32) {
    %get3A = arith.index_cast %arg0 : i32 to index
    %get3A_0 = memref.load %arg1[%get3A] : memref<128xi32, #tpu.memory_space<smem>>
    %c0_i32 = arith.constant 0 : i32
    %c0_i32_1 = arith.constant 0 : i32
    %c0_i32_2 = arith.constant 0 : i32
    return %get3A_0, %c0_i32, %c0_i32_1 : i32, i32, i32
  }
  func.func @transform_4(%arg0: i32, %arg1: memref<128xi32, #tpu.memory_space<smem>>, %arg2: memref<128xi32, #tpu.memory_space<smem>>) -> (i32, i32) {
    %c0_i32 = arith.constant 0 : i32
    %c0_i32_0 = arith.constant 0 : i32
    return %arg0, %c0_i32 : i32, i32
  }
}

module attributes {stable_mosaic.version = 14 : i64} {
  func.func @_final_body(%arg0: i32, %arg1: memref<512x1024xf32, #tpu.memory_space<vmem>>, %arg2: memref<512x1024xf32, #tpu.memory_space<vmem>>, %arg3: memref<512x1024xf32, #tpu.memory_space<vmem>>, %arg4: memref<1024x512xf32, #tpu.memory_space<vmem>>, %arg5: memref<2x512x1024xf32, #tpu.memory_space<vmem>>, %arg6: memref<512x2xf32, #tpu.memory_space<vmem>>, %arg7: memref<512x1024xf32, #tpu.memory_space<vmem>>) attributes {dimension_semantics = [#tpu.dimension_semantics<arbitrary>], iteration_bounds = array<i64: 16>, scalar_prefetch = 0 : i64, scratch_operands = 0 : i64, tpu.core_type = #tpu.core_type<tc>, window_params = [{transform_indices = @transform_0, window_bounds = array<i64: 512, 1024>}, {pipeline_mode = #tpu.pipeline_mode<synchronous>, transform_indices = @transform_1, window_bounds = array<i64: 512, 1024>}, {pipeline_mode = #tpu.pipeline_mode<synchronous>, transform_indices = @transform_2, window_bounds = array<i64: 512, 1024>}, {pipeline_mode = #tpu.pipeline_mode<synchronous>, transform_indices = @transform_3, window_bounds = array<i64: 1024, 512>}, {transform_indices = @transform_4, window_bounds = array<i64: 2, 512, 1024>}, {transform_indices = @transform_5, window_bounds = array<i64: 512, 2>}, {transform_indices = @transform_6, window_bounds = array<i64: 512, 1024>}]} {
    %get3A = arith.constant 0 : index
    %get3A_0 = arith.constant 0 : index
    %get3A_1 = vector.load %arg1[%get3A, %get3A_0] : memref<512x1024xf32, #tpu.memory_space<vmem>>, vector<512x1024xf32>
    %get3A_2 = arith.constant 0 : index
    %get3A_3 = arith.constant 0 : index
    %get3A_4 = vector.load %arg2[%get3A_2, %get3A_3] : memref<512x1024xf32, #tpu.memory_space<vmem>>, vector<512x1024xf32>
    %dot_general3A = arith.constant dense<0.000000e+00> : vector<512x512xf32>
    %dot_general3A_5 = tpu.matmul %get3A_1, %get3A_4, %dot_general3A {dimension_numbers = #tpu.dot_dimension_numbers<[1], [1], [0], [0], [0, 0, 1, 0], [], []>, transpose_lhs_hint = false} : vector<512x1024xf32>, vector<512x1024xf32>, vector<512x512xf32> -> vector<512x512xf32>
    %get3A_6 = arith.constant 0 : index
    %get3A_7 = arith.constant 0 : index
    %get3A_8 = vector.load %arg3[%get3A_6, %get3A_7] : memref<512x1024xf32, #tpu.memory_space<vmem>>, vector<512x1024xf32>
    %dot_general3A_9 = arith.constant dense<0.000000e+00> : vector<512x512xf32>
    %dot_general3A_10 = tpu.matmul %get3A_1, %get3A_8, %dot_general3A_9 {dimension_numbers = #tpu.dot_dimension_numbers<[1], [1], [0], [0], [0, 0, 1, 0], [], []>, transpose_lhs_hint = false} : vector<512x1024xf32>, vector<512x1024xf32>, vector<512x512xf32> -> vector<512x512xf32>
    %logistic3A = arith.negf %dot_general3A_5 : vector<512x512xf32>
    %logistic3A_11 = math.exp %logistic3A : vector<512x512xf32>
    %logistic3A_12 = arith.constant 1.000000e+00 : f32
    %logistic3A_13 = vector.broadcast %logistic3A_12 : f32 to vector<512x512xf32>
    %logistic3A_14 = arith.addf %logistic3A_13, %logistic3A_11 : vector<512x512xf32>
    %logistic3A_15 = arith.divf %logistic3A_13, %logistic3A_14 : vector<512x512xf32>
    %mul3A = arith.mulf %dot_general3A_5, %logistic3A_15 : vector<512x512xf32>
    %mul3A_16 = arith.mulf %mul3A, %dot_general3A_10 : vector<512x512xf32>
    %get3A_17 = arith.constant 0 : index
    %get3A_18 = arith.constant 0 : index
    %get3A_19 = vector.load %arg4[%get3A_17, %get3A_18] : memref<1024x512xf32, #tpu.memory_space<vmem>>, vector<1024x512xf32>
    %dot_general3A_20 = arith.constant dense<0.000000e+00> : vector<512x1024xf32>
    %dot_general3A_21 = tpu.matmul %mul3A_16, %get3A_19, %dot_general3A_20 {dimension_numbers = #tpu.dot_dimension_numbers<[1], [1], [0], [0], [0, 0, 1, 0], [], []>, transpose_lhs_hint = false} : vector<512x512xf32>, vector<1024x512xf32>, vector<512x1024xf32> -> vector<512x1024xf32>
    %get3A_22 = arith.constant 0 : index
    %get3A_23 = arith.constant 0 : index
    %get3A_24 = vector.load %arg6[%get3A_22, %get3A_23] : memref<512x2xf32, #tpu.memory_space<vmem>>, vector<512x1xf32>
    %get3A_25 = arith.constant 0 : index
    %get3A_26 = arith.constant 1 : index
    %get3A_27 = vector.load %arg6[%get3A_25, %get3A_26] : memref<512x2xf32, #tpu.memory_space<vmem>>, vector<512x1xf32>
    %get3A_28 = arith.constant 0 : index
    %get3A_29 = arith.constant 0 : index
    %get3A_30 = arith.constant 0 : index
    %get3A_31 = vector.load %arg5[%get3A_28, %get3A_29, %get3A_30] : memref<2x512x1024xf32, #tpu.memory_space<vmem>>, vector<1x512x1024xf32>
    %get3A_32 = vector.shape_cast %get3A_31 : vector<1x512x1024xf32> to vector<512x1024xf32>
    %mul3A_33 = vector.broadcast %get3A_24 : vector<512x1xf32> to vector<512x1024xf32>
    %mul3A_34 = arith.mulf %mul3A_33, %get3A_32 : vector<512x1024xf32>
    %add3A = arith.addf %dot_general3A_21, %mul3A_34 : vector<512x1024xf32>
    %get3A_35 = arith.constant 1 : index
    %get3A_36 = arith.constant 0 : index
    %get3A_37 = arith.constant 0 : index
    %get3A_38 = vector.load %arg5[%get3A_35, %get3A_36, %get3A_37] : memref<2x512x1024xf32, #tpu.memory_space<vmem>>, vector<1x512x1024xf32>
    %get3A_39 = vector.shape_cast %get3A_38 : vector<1x512x1024xf32> to vector<512x1024xf32>
    %mul3A_40 = vector.broadcast %get3A_27 : vector<512x1xf32> to vector<512x1024xf32>
    %mul3A_41 = arith.mulf %mul3A_40, %get3A_39 : vector<512x1024xf32>
    %add3A_42 = arith.addf %add3A, %mul3A_41 : vector<512x1024xf32>
    %swap3A = arith.constant 0 : index
    %swap3A_43 = arith.constant 0 : index
    %swap3A_44 = vector.load %arg7[%swap3A, %swap3A_43] : memref<512x1024xf32, #tpu.memory_space<vmem>>, vector<512x1024xf32>
    tpu.vector_store %arg7[%swap3A, %swap3A_43], %add3A_42 {strides = array<i32>} : memref<512x1024xf32, #tpu.memory_space<vmem>>, vector<512x1024xf32>,
    return
  }
  func.func @transform_0(%arg0: i32) -> (i32, i32) {
    %c0_i32 = arith.constant 0 : i32
    %c0_i32_0 = arith.constant 0 : i32
    return %arg0, %c0_i32 : i32, i32
  }
  func.func @transform_1(%arg0: i32) -> (i32, i32) {
    %c0_i32 = arith.constant 0 : i32
    %c0_i32_0 = arith.constant 0 : i32
    %c0_i32_1 = arith.constant 0 : i32
    return %c0_i32, %c0_i32_0 : i32, i32
  }
  func.func @transform_2(%arg0: i32) -> (i32, i32) {
    %c0_i32 = arith.constant 0 : i32
    %c0_i32_0 = arith.constant 0 : i32
    %c0_i32_1 = arith.constant 0 : i32
    return %c0_i32, %c0_i32_0 : i32, i32
  }
  func.func @transform_3(%arg0: i32) -> (i32, i32) {
    %c0_i32 = arith.constant 0 : i32
    %c0_i32_0 = arith.constant 0 : i32
    %c0_i32_1 = arith.constant 0 : i32
    return %c0_i32, %c0_i32_0 : i32, i32
  }
  func.func @transform_4(%arg0: i32) -> (i32, i32, i32) {
    %c0_i32 = arith.constant 0 : i32
    %c0_i32_0 = arith.constant 0 : i32
    %c0_i32_1 = arith.constant 0 : i32
    return %c0_i32, %arg0, %c0_i32_0 : i32, i32, i32
  }
  func.func @transform_5(%arg0: i32) -> (i32, i32) {
    %c0_i32 = arith.constant 0 : i32
    %c0_i32_0 = arith.constant 0 : i32
    return %arg0, %c0_i32 : i32, i32
  }
  func.func @transform_6(%arg0: i32) -> (i32, i32) {
    %c0_i32 = arith.constant 0 : i32
    %c0_i32_0 = arith.constant 0 : i32
    return %arg0, %c0_i32 : i32, i32
  }
}

</mosaic_0001>

<sc_bundles>
// kernel: kernel.11.cloned.1.call-start
scs
__scs_entry_jumppad:
0x0: {  	(pc) =	sbr.rel $0x88, $3  }
0x1: {  	(tag) =	ssettag $0x0;
	lr =	simm.s32 $0x1  }
0x2: {  	[smem:$0x3F99] =	sst lr;
	_ =	strace $0xD0000000  }
0x3: {  	_ = 	snop  }
0x4: {  	_ = 	snop  }
0x5: {  	_ = 	snop  }
0x6: {  	_ = 	snop  }
0x7: {  	_ = 	snop  }
__scs_overlays_trampoline_lowered:
0x8: {  	[smem:$0x3FA8] =	sst s0  }
0x9: {  	[smem:$0x3FA9] =	sst s1  }
0xa: {  	[smem:$0x3FAA] =	sst s2  }
0xb: {  	[smem:$0x3FAB] =	sst s3  }
0xc: {  	[smem:$0x3FAC] =	sst s4  }
0xd: {  	[smem:$0x3FAD] =	sst s5  }
0xe: {  	[smem:$0x3FAE] =	sst s6  }
0xf: {  	[smem:$0x3FAF] =	sst s7  }
0x10: {  	[smem:$0x3FB0] =	sst s8  }
0x11: {  	[smem:$0x3FB1] =	sst s9;
	s0 =	simm.s32 @!p0 $0x0  }
0x12: {  	s1 =	sld [smem:$0x3F97];
	s0 =	simm.s32 @p0 $0x1  }
0x13: {  	[smem:$0x3FB2] =	sst s0;
	s0 =	simm.s32 @!p1 $0x0  }
0x14: {  	s2 =	sld [smem:$0x3F96];
	s0 =	simm.s32 @p1 $0x1  }
0x15: {  	[smem:$0x3FB3] =	sst s0;
	s0 =	simm.s32 @!p2 $0x0  }
0x16: {  	s3 =	sld [smem:$0x3FDB];
	s0 =	simm.s32 @p2 $0x1  }
0x17: {  	s4 =	simm.s32 $0x1BF5;
	[smem:$0x3FB5] =	sst s0  }
0x18: {  	s0 =	sld [smem:$0x3F98];
	_ =	swait.ge [sflag:s4], $0x0  }
0x19: {  	s7 =	sld [smem:$0x3F99]  }
0x1a: {  	s8 =	sadd.s32 $0xFFFFE003, lr  }
0x1b: {  	s9 =	sadd.s32 $0xFFFFFEF7, lr;
	s5 =	simm.s32 $0xFFFFFFFF;
	p2 =	slt.u32 s8, $0xFFFFF086  }
0x1c: {  	p1 =	slt.u32 s9, $0xF7A;
	s5 =	simm.s32 @!p2 $0x0  }
0x1d: {  	s5 =	simm.s32 @p1 $0x1;
	p0 =	seq.s32 s7, s2  }
0x1e: {  	s7 =	smul.u32 @!p0 $0xF7A, s2;
	p2 =	seq.s32 @!p0 s5, $0x0  }
0x1f: {  	s9 =	smul.u32 $0xF7A, s1;
	s8 =	simm.s32 @!p0 $0x1BF5;
	p2 =	por !p2, p0  }
0x20: {  	[sflag:s8] =	ssyncset.s32 @!p0 $0xFFFFF086;
	s6 =	sadd.s32 @!p0 s3, s7;
	s7 =	simm.s32 @!p0 $0x108  }
0x21: {  	s3 =	sadd.s32 s3, s9;
	s6 =	sadd.s32 @!p0 $0x88, s6;
	s7 =	simm.s32 @p2 $0x1082  }
0x22: {  	[simem:s7], [sflag:s8] =	dma.local @!p0 [hbm:s6], $0xF7A  }
0x23: {  	s9 =	sor.u32 $0xD0000000, s2;
	s6 =	simm.s32 $0x108;
	_ =	swait.ge @!p0 [sflag:s8], $0x0  }
0x24: {  	s3 =	sadd.s32 $0x88, s3;
	s6 =	simm.s32 @!p1 $0x1082;
	[sflag:s4] =	ssyncset.s32 $0xFFFFF086  }
0x25: {  	[simem:s6], [sflag:s4] =	dma.local [hbm:s3], $0xF7A  }
0x26: {  	[smem:$0x3F99] =	sst s1;
	(tag) =	ssettag s2;
	_ =	strace s9  }
0x27: {  	s1 =	sld [smem:$0x3FA9]  }
0x28: {  	s2 =	sld [smem:$0x3FAA]  }
0x29: {  	s4 =	sld [smem:$0x3FAC]  }
0x2a: {  	p0 =	seq.s32 s5, $0x0;
	s5 =	sld [smem:$0x3FAD]  }
0x2b: {  	s6 =	sld [smem:$0x3FAE]  }
0x2c: {  	s7 =	sld [smem:$0x3FAF]  }
0x2d: {  	s3 =	simm.s32 $0x108;
	s8 =	sld [smem:$0x3FB0]  }
0x2e: {  	s3 =	simm.s32 @!p0 $0x1082;
	s9 =	sld [smem:$0x3FB1]  }
0x2f: {  	lr =	sadd.s32 s0, s3;
	s0 =	sld [smem:$0x3FA8]  }
0x30: {  	s3 =	sld [smem:$0x3FAB]  }
0x31: {  	[smem:$0x3FB4] =	sst s10  }
0x32: {  	s10 =	sld [smem:$0x3FB2];
	_ =	sdelay $0x3  }
0x33: {  	p0 =	seq.s32 s10, $0x1;
	s10 =	sld [smem:$0x3FB4];
	_ =	sdelay $0x3  }
0x34: {  	[smem:$0x3FB4] =	sst s10  }
0x35: {  	s10 =	sld [smem:$0x3FB3];
	_ =	sdelay $0x3  }
0x36: {  	p1 =	seq.s32 s10, $0x1;
	s10 =	sld [smem:$0x3FB4];
	_ =	sdelay $0x3  }
0x37: {  	[smem:$0x3FB4] =	sst s10  }
0x38: {  	s10 =	sld [smem:$0x3FB5]  }
0x39: {  	_ = 	snop;
	(pc) =	sbr.ind lr, $3  }
0x3a: {  	_ = 	snop  }
0x3b: {  	_ = 	snop  }
0x3c: {  	p2 =	seq.s32 s10, $0x1;
	s10 =	sld [smem:$0x3FB4]  }
0x3d: {  	_ =	shalt  }
0x3e: {  	_ =	shalt  }
0x3f: {  	_ =	shalt  }
0x40: {  	_ =	shalt  }
0x41: {  	_ =	shalt  }
0x42: {  	_ =	shalt  }
0x43: {  	_ =	shalt  }
0x44: {  	_ =	shalt  }
0x45: {  	_ =	shalt  }
0x46: {  	_ =	shalt  }
0x47: {  	_ =	shalt  }
0x48: {  	_ =	shalt  }
0x49: {  	_ =	shalt  }
0x4a: {  	_ =	shalt  }
0x4b: {  	_ =	shalt  }
0x4c: {  	_ =	shalt  }
0x4d: {  	_ =	shalt  }
0x4e: {  	_ =	shalt  }
0x4f: {  	_ =	shalt  }
0x50: {  	_ =	shalt  }
0x51: {  	_ =	shalt  }
0x52: {  	_ =	shalt  }
0x53: {  	_ =	shalt  }
0x54: {  	_ =	shalt  }
0x55: {  	_ =	shalt  }
0x56: {  	_ =	shalt  }
0x57: {  	_ =	shalt  }
0x58: {  	_ =	shalt  }
0x59: {  	_ =	shalt  }
0x5a: {  	_ =	shalt  }
0x5b: {  	_ =	shalt  }
0x5c: {  	_ =	shalt  }
0x5d: {  	_ =	shalt  }
0x5e: {  	_ =	shalt  }
0x5f: {  	_ =	shalt  }
0x60: {  	_ =	shalt  }
0x61: {  	_ =	shalt  }
0x62: {  	_ =	shalt  }
0x63: {  	_ =	shalt  }
0x64: {  	_ =	shalt  }
0x65: {  	_ =	shalt  }
0x66: {  	_ =	shalt  }
0x67: {  	_ =	shalt  }
0x68: {  	_ =	shalt  }
0x69: {  	_ =	shalt  }
0x6a: {  	_ =	shalt  }
0x6b: {  	_ =	shalt  }
0x6c: {  	_ =	shalt  }
0x6d: {  	_ =	shalt  }
0x6e: {  	_ =	shalt  }
0x6f: {  	_ =	shalt  }
0x70: {  	_ =	shalt  }
0x71: {  	_ =	shalt  }
0x72: {  	_ =	shalt  }
0x73: {  	_ =	shalt  }
0x74: {  	_ =	shalt  }
0x75: {  	_ =	shalt  }
0x76: {  	_ =	shalt  }
0x77: {  	_ =	shalt  }
0x78: {  	_ =	shalt  }
0x79: {  	_ =	shalt  }
0x7a: {  	_ =	shalt  }
0x7b: {  	_ =	shalt  }
0x7c: {  	_ =	shalt  }
0x7d: {  	_ =	shalt  }
0x7e: {  	_ =	shalt  }
0x7f: {  	_ =	shalt  }
0x80: {  	_ =	shalt  }
0x81: {  	_ =	shalt  }
0x82: {  	_ =	shalt  }
0x83: {  	_ =	shalt  }
0x84: {  	_ =	shalt  }
0x85: {  	_ =	shalt  }
0x86: {  	_ =	shalt  }
0x87: {  	_ =	shalt  }
.Lfunc_end0:
.L_simem_size_0:
called_computation.1_lowered:
.L_overlay_start_0:
0x88: {  	s2 =	sld [smem:$0x3FD9]  }
0x89: {  	s3 =	sld [smem:$0x3FFE];
	_ =	sdelay $0x1  }
0x8a: {  	s1 =	srdreg.scid  }
0x8b: {  	s0 =	sand.u32 $0x1, s1  }
0x8c: {  	s16 =	sshll.u32 s0, $0xA;
	s2 =	sadd.s32 s3, s2  }
0x8d: {  	s2 =	sadd.s32 s2, s16  }
0x8e: {  	[smem:$0x3FC0] =	sst s2  }
0x8f: {  	_ = 	snop  }
0x90: {  	(tm) =	ssettm $0x1  }
0x91: {  	s17 =	sld [smem:$0x3FFB];
	_ =	sdelay $0x3  }
0x92: {  	_ =	strace s17  }
0x93: {  	s2 =	sld [smem:$0x3FFC];
	_ =	sdelay $0x3  }
0x94: {  	_ =	strace s2  }
0x95: {  	s2 =	sld [smem:$0x3FFD];
	_ =	sdelay $0x3  }
0x96: {  	_ =	strace s2  }
0x97: {  	_ =	strace $0x8FFFFFFF  }
0x98: {  	s18 =	sld [smem:$0x3FDB];
	_ =	sdelay $0x1  }
0x99: {  	s19 =	simm.s32 $_scs_section_size  }
0x9a: {  	s4 =	simm.s32 $_size__tile_overlayer_lowered;
	s5 =	simm.s32 $_tile_overlayer_lowered  }
0x9b: {  	s22 =	simm.s32 $0x1BFF;
	s21 =	sshll.u32 s5, $0x1;
	s2 =	sadd.s32 s19, s18  }
0x9c: {  	s6 =	simm.s32 $0x0;
	s20 =	sshll.u32 s4, $0x1;
	s4 =	sadd.s32 s21, s2  }
0x9d: {  	[timem:s6], [sflag:s22] =	dma.local [hbm:s4], s20  }
0x9e: {  	_ =	swait.ge [sflag:s22], s20  }
0x9f: {  	s3 =	ssub.s32 $0x0, s20;
	[sflag:s22] =	ssyncset.done $0x0  }
0xa0: {  	[sflag:s22] =	ssyncadd.s32 s3;
	_ =	sdelay $0x1  }
0xa1: {  	s23 =	simm.s32 $0x1B8B  }
0xa2: {  	_ =	swait.ge [sflag:s23], $0x1  }
0xa3: {  	[sflag:s23] =	ssyncset.done $0x0  }
0xa4: {  	s25 =	simm.s32 $0x1B8E;
	s24 =	sld [smem:$0x3FFE];
	[sflag:s23] =	ssyncadd.s32 $0xFFFFFFFF  }
0xa5: {  	s26 =	simm.s32 $execute0_lowered;
	[smem:$0x3FD2] =	sst s25  }
0xa6: {  	s4 =	sshll.u32 s26, $0x1;
	_ =	strace $0x80000049;
	[dreg:$0x1] =	wrdreg $0xFFFFFFFF  }
0xa7: {  	s28 =	simm.s32 $_size_execute0_lowered;
	s2 =	sadd.s32 s2, s4;
	[dreg:$0x0] =	wrdreg $0x0  }
0xa8: {  	s4 =	sshll.u32 s28, $0x1;
	[dreg:$0x2] =	wrdreg s2  }
0xa9: {  	[dreg:$0x3] =	wrdreg s4  }
0xaa: {  	[dreg:$0x4] =	wrdreg $0xC0  }
0xab: {  	_ =	task [dreg:s6], $0x5FFFF  }
0xac: {  	[dreg:$0x1] =	wrdreg $0xFFFFFFFF  }
0xad: {  	[dreg:$0x0] =	wrdreg $0x60  }
0xae: {  	[dreg:$0x2] =	wrdreg s24  }
0xaf: {  	[dreg:$0x3] =	wrdreg $0x9  }
0xb0: {  	_ =	task.clear_ibuf [dreg:s6], $0x4FFFF;
	_ =	strace $0x90000049  }
0xb1: {  	s29 =	simm.s32 $0x9;
	_ =	strace $0x8000004B  }
0xb2: {  	_ =	swait.ge [sflag:s29], $0x1  }
0xb3: {  	[sflag:s29] =	ssyncadd.s32 $0xFFFFFFFF  }
0xb4: {  	_ =	strace $0x9000004B  }
0xb5: {  	_ =	sfence  }
0xb6: {  	s30 =	sld [smem:$0x0];
	_ =	sdelay $0x2  }
0xb7: {  	s31 =	sshll.u32 s1, $0xD;
	s1 =	sshrl.u32 s1, $0x2  }
0xb8: {  	s3 =	sand.u32 $0x4000, s31;
	s1 =	sadd.s32 s1, s30  }
0xb9: {  	s0 =	sor.u32 s3, s0;
	s1 =	sshll.u32 s1, $0x11  }
0xba: {  	s0 =	sor.u32 s1, s0  }
0xbb: {  	s0 =	sadd.s32 $0x8F2B, s0  }
0xbc: {  	[sflag:s0] =	ssyncadd.remote.s32 $0x1  }
0xbd: {  	_ =	sfence.sel $0xFFFF  }
0xbe: {  	[dreg:$0x0] =	wrdreg $0xFFFFFFFF;
	(pc) =	sbr.abs _section_cstart, $3  }
0xbf: {  	[dreg:$0x1] =	wrdreg $0xFFFFFFFF  }
0xc0: {  	_ =	task.clear_ibuf [dreg:s6], $0x2FFFF;
	_ =	strace $0x9FFFFFFF  }
0xc1: {  	(tm) =	ssettm $0x7FFFFFFF  }
tec
execute0_lowered:
.L_overlay_start_1:
0x0: {  	(tag) =	ssettag $0x1  }
0x1: {  	s0 =	rddreg [dreg:$0x0]  }
0x2: {  	s1 =	srdreg.scid;
	s2 =	simm.s32 $0x0;
	s3 =	stileid.u32  }
0x3: {  	s26 =	simm.s32 $0x1;
	s28 =	simm.s32 $0x2;
	s1 =	sand.u32 $0x1, s1  }
0x4: {  	[smem:$0x7FF] =	sst s2;
	s3 =	sshll.u32 s3, $0xA;
	s7 =	sadd.s32 $0x402E00, s0  }
0x5: {  	s5 =	sadd.s32 $0x2C00, s0;
	s8 =	sadd.s32 $0x402F00, s0;
	s9 =	sadd.s32 $0x2D00, s0  }
0x6: {  	s10 =	sadd.s32 $0x2E00, s0;
	s4 =	sshll.u32 s1, $0x9;
	s1 =	ssub.s32 $0x2, s1  }
0x7: {  	s11 =	sadd.s32 $0x2F00, s0;
	s31 =	sor.u32 s4, s3;
	s6 =	sshrl.u32 s1, $0x1  }
0x8: {  	_ =	strace $0x8000004A;
	s3 =	sshrl.u32 s31, $0x3;
	s1 =	ssub.s32 s1, s6  }
0x9: {  	v0 =	vlaneseq.u32;
	vm0 =	vmmov $0xffff;
	s4 =	sadd.s32 $0x402C00, s0;
	s3 =	sadd.s32 s3, s0;
	s29 =	smax.u32 s1, $0x1  }
0xa: {  	v1 =	vand.u32 $0x1, v0;
	v2 =	vand.u32 $0x7, v0;
	v3 =	vshrl.u32 v0, $0x3;
	s6 =	sadd.s32 $0x402D00, s0;
	[dreg:$0x2] =	wrdreg s29;
	s30 =	sadd.s32 $0x2400, s3  }
0xb: {  	v4 =	vor.u32 $0x8, v0;
	v1 =	vmul.u32 $0x2000, v1;
	v3 =	vmul.u32 $0x8, v3;
	s1 =	simm.s32 $0x3;
	s3 =	simm.s32 $0x0;
	[dreg:$0x3] =	wrdreg s30  }
.LBB2_1:
0xc: {  	[dreg:$0x4] =	wrdreg s3  }
0xd: {  	s29 =	rddreg [dreg:$0x3];
	s30 =	simm.s32 $0x0  }
.LBB2_2:
0xe: {  	[tilespmem:s2], [sflag:$0x3] =	stream.linear.gather [hbm4b:s29+s2], $0x40, $0x38;
	[tilespmem:$0x10100] =	vst v63  }
0xf: {  	_ =	swait.ge [sflag:s1], $0x40  }
0x10: {  	[sflag:s1] =	ssyncset.done $0x0  }
0x11: {  	[sflag:s1] =	ssyncadd.s32 $0xFFFFFFC0  }
0x12: {  	v5 =	vld [tilespmem:$0x0];
	_ =	sdelay $0x3  }
0x13: {  	s1 =	smov.u32 s31;
	s31 =	sadd.s32 s30, s31  }
0x14: {  	v6 =	vor.u32 s31, v0;
	s0 =	sadd.s32 $0x10, s31;
	v7 =	vshll.u32 v5, $0x3  }
0x15: {  	v8 =	vor.u32 s0, v0;
	s0 =	sadd.s32 $0x20, s31;
	v5 =	vand.u32 $0x7, v5;
	v7 =	vand.u32 $0xFFFFFFC0, v7  }
0x16: {  	s31 =	sadd.s32 $0x30, s31;
	v6 =	vshrl.u32 v6, $0x1;
	v9 =	vor.u32 s0, v0;
	v5 =	vor.u32 v5, v7  }
0x17: {  	v10 =	vor.u32 s31, v0;
	v6 =	vadd.s32 v1, v6;
	v11 =	vperm.xlane v5, v2  }
0x18: {  	v61 =	vshll.u32 v9, $0xD;
	[tilespmem:$0x80] =	vst v6;
	v6 =	vshrl.u32 v9, $0x1;
	v7 =	vshll.u32 v8, $0xD  }
0x19: {  	v8 =	vshrl.u32 v8, $0x1;
	v7 =	vand.u32 $0x2000, v7;
	v11 =	vadd.s32 v3, v11  }
0x1a: {  	v62 =	vshll.u32 v10, $0xD;
	v7 =	vadd.s32 v8, v7;
	v8 =	vand.u32 $0x2000, v61  }
0x1b: {  	v63 =	vand.u32 $0x2000, v62;
	[tilespmem:$0x90] =	vst v7;
	v6 =	vadd.s32 v6, v8;
	v7 =	vshrl.u32 v10, $0x1  }
0x1c: {  	[tilespmem:$0xA0] =	vst v6;
	v6 =	vadd.s32 v7, v63  }
0x1d: {  	s0 =	simm.s32 $0x100;
	[tilespmem:$0xB0] =	vst v6  }
0x1e: {  	[tilespmem:s0], [sflag:$0x1] =	stream.indirect_vreg.gather [hbm4b:s4+s2], $0x80, v11, vm0, $0xb8;
	[tilespmem:$0x10100] =	vst v63  }
0x1f: {  	s31 =	smov.u32 s1;
	s1 =	simm.s32 $0x900;
	v5 =	vperm.xlane v5, v4  }
0x20: {  	[tilespmem:s1], [sflag:$0x1] =	stream.indirect_vreg.gather [hbm4b:s6+s2], $0x80, v11, vm0, $0xb8;
	[tilespmem:$0x10100] =	vst v63  }
0x21: {  	s12 =	simm.s32 $0x1100;
	v5 =	vadd.s32 v3, v5  }
0x22: {  	[tilespmem:s12], [sflag:$0x1] =	stream.indirect_vreg.gather [hbm4b:s7+s2], $0x80, v11, vm0, $0xb8;
	[tilespmem:$0x10100] =	vst v63  }
0x23: {  	s12 =	simm.s32 $0x1900  }
0x24: {  	[tilespmem:s12], [sflag:$0x1] =	stream.indirect_vreg.gather [hbm4b:s8+s2], $0x80, v11, vm0, $0xb8;
	[tilespmem:$0x10100] =	vst v63  }
0x25: {  	s13 =	simm.s32 $0x2100  }
0x26: {  	[tilespmem:s13], [sflag:$0x1] =	stream.indirect_vreg.gather [hbm4b:s4+s2], $0x80, v5, vm0, $0xb8;
	[tilespmem:$0x10100] =	vst v63  }
0x27: {  	s13 =	simm.s32 $0x2900  }
0x28: {  	[tilespmem:s13], [sflag:$0x1] =	stream.indirect_vreg.gather [hbm4b:s6+s2], $0x80, v5, vm0, $0xb8;
	[tilespmem:$0x10100] =	vst v63  }
0x29: {  	s3 =	simm.s32 $0x3100  }
0x2a: {  	[tilespmem:s3], [sflag:$0x1] =	stream.indirect_vreg.gather [hbm4b:s7+s2], $0x80, v5, vm0, $0xb8;
	[tilespmem:$0x10100] =	vst v63  }
0x2b: {  	s3 =	simm.s32 $0x3900  }
0x2c: {  	[tilespmem:s3], [sflag:$0x1] =	stream.indirect_vreg.gather [hbm4b:s8+s2], $0x80, v5, vm0, $0xb8;
	[tilespmem:$0x10100] =	vst v63  }
0x2d: {  	v5 =	vld [tilespmem:$0x10];
	_ =	sdelay $0x4  }
0x2e: {  	v6 =	vshll.u32 v5, $0x3  }
0x2f: {  	v5 =	vand.u32 $0x7, v5;
	v6 =	vand.u32 $0xFFFFFFC0, v6  }
0x30: {  	v5 =	vor.u32 v5, v6  }
0x31: {  	v6 =	vperm.xlane v5, v2;
	_ =	sdelay $0x1  }
0x32: {  	v6 =	vadd.s32 v3, v6;
	_ =	sdelay $0x3  }
0x33: {  	s15 =	simm.s32 $0x4100  }
0x34: {  	[tilespmem:s15], [sflag:$0x1] =	stream.indirect_vreg.gather [hbm4b:s4+s2], $0x80, v6, vm0, $0xb8;
	[tilespmem:$0x10100] =	vst v63  }
0x35: {  	v5 =	vperm.xlane v5, v4;
	s15 =	simm.s32 $0x4900  }
0x36: {  	[tilespmem:s15], [sflag:$0x1] =	stream.indirect_vreg.gather [hbm4b:s6+s2], $0x80, v6, vm0, $0xb8;
	[tilespmem:$0x10100] =	vst v63  }
0x37: {  	s16 =	simm.s32 $0x5100;
	v5 =	vadd.s32 v3, v5  }
0x38: {  	[tilespmem:s16], [sflag:$0x1] =	stream.indirect_vreg.gather [hbm4b:s7+s2], $0x80, v6, vm0, $0xb8;
	[tilespmem:$0x10100] =	vst v63  }
0x39: {  	s16 =	simm.s32 $0x5900  }
0x3a: {  	[tilespmem:s16], [sflag:$0x1] =	stream.indirect_vreg.gather [hbm4b:s8+s2], $0x80, v6, vm0, $0xb8;
	[tilespmem:$0x10100] =	vst v63  }
0x3b: {  	s17 =	simm.s32 $0x6100  }
0x3c: {  	[tilespmem:s17], [sflag:$0x1] =	stream.indirect_vreg.gather [hbm4b:s4+s2], $0x80, v5, vm0, $0xb8;
	[tilespmem:$0x10100] =	vst v63  }
0x3d: {  	s17 =	simm.s32 $0x6900  }
0x3e: {  	[tilespmem:s17], [sflag:$0x1] =	stream.indirect_vreg.gather [hbm4b:s6+s2], $0x80, v5, vm0, $0xb8;
	[tilespmem:$0x10100] =	vst v63  }
0x3f: {  	s18 =	simm.s32 $0x7100  }
0x40: {  	[tilespmem:s18], [sflag:$0x1] =	stream.indirect_vreg.gather [hbm4b:s7+s2], $0x80, v5, vm0, $0xb8;
	[tilespmem:$0x10100] =	vst v63  }
0x41: {  	s18 =	simm.s32 $0x7900  }
0x42: {  	[tilespmem:s18], [sflag:$0x1] =	stream.indirect_vreg.gather [hbm4b:s8+s2], $0x80, v5, vm0, $0xb8;
	[tilespmem:$0x10100] =	vst v63  }
0x43: {  	v5 =	vld [tilespmem:$0x20];
	_ =	sdelay $0x4  }
0x44: {  	v6 =	vshll.u32 v5, $0x3  }
0x45: {  	v5 =	vand.u32 $0x7, v5;
	v6 =	vand.u32 $0xFFFFFFC0, v6  }
0x46: {  	v5 =	vor.u32 v5, v6  }
0x47: {  	v6 =	vperm.xlane v5, v2;
	_ =	sdelay $0x1  }
0x48: {  	v6 =	vadd.s32 v3, v6;
	_ =	sdelay $0x3  }
0x49: {  	s19 =	simm.s32 $0x8100  }
0x4a: {  	[tilespmem:s19], [sflag:$0x1] =	stream.indirect_vreg.gather [hbm4b:s4+s2], $0x80, v6, vm0, $0xb8;
	[tilespmem:$0x10100] =	vst v63  }
0x4b: {  	v5 =	vperm.xlane v5, v4;
	s19 =	simm.s32 $0x8900  }
0x4c: {  	[tilespmem:s19], [sflag:$0x1] =	stream.indirect_vreg.gather [hbm4b:s6+s2], $0x80, v6, vm0, $0xb8;
	[tilespmem:$0x10100] =	vst v63  }
0x4d: {  	s20 =	simm.s32 $0x9100;
	v5 =	vadd.s32 v3, v5  }
0x4e: {  	[tilespmem:s20], [sflag:$0x1] =	stream.indirect_vreg.gather [hbm4b:s7+s2], $0x80, v6, vm0, $0xb8;
	[tilespmem:$0x10100] =	vst v63  }
0x4f: {  	s20 =	simm.s32 $0x9900  }
0x50: {  	[tilespmem:s20], [sflag:$0x1] =	stream.indirect_vreg.gather [hbm4b:s8+s2], $0x80, v6, vm0, $0xb8;
	[tilespmem:$0x10100] =	vst v63  }
0x51: {  	s21 =	simm.s32 $0xA100  }
0x52: {  	[tilespmem:s21], [sflag:$0x1] =	stream.indirect_vreg.gather [hbm4b:s4+s2], $0x80, v5, vm0, $0xb8;
	[tilespmem:$0x10100] =	vst v63  }
0x53: {  	s21 =	simm.s32 $0xA900  }
0x54: {  	[tilespmem:s21], [sflag:$0x1] =	stream.indirect_vreg.gather [hbm4b:s6+s2], $0x80, v5, vm0, $0xb8;
	[tilespmem:$0x10100] =	vst v63  }
0x55: {  	s22 =	simm.s32 $0xB100  }
0x56: {  	[tilespmem:s22], [sflag:$0x1] =	stream.indirect_vreg.gather [hbm4b:s7+s2], $0x80, v5, vm0, $0xb8;
	[tilespmem:$0x10100] =	vst v63  }
0x57: {  	s22 =	simm.s32 $0xB900  }
0x58: {  	[tilespmem:s22], [sflag:$0x1] =	stream.indirect_vreg.gather [hbm4b:s8+s2], $0x80, v5, vm0, $0xb8;
	[tilespmem:$0x10100] =	vst v63  }
0x59: {  	v5 =	vld [tilespmem:$0x30];
	_ =	sdelay $0x4  }
0x5a: {  	v6 =	vshll.u32 v5, $0x3  }
0x5b: {  	v5 =	vand.u32 $0x7, v5;
	v6 =	vand.u32 $0xFFFFFFC0, v6  }
0x5c: {  	v5 =	vor.u32 v5, v6  }
0x5d: {  	v6 =	vperm.xlane v5, v2;
	_ =	sdelay $0x1  }
0x5e: {  	v6 =	vadd.s32 v3, v6;
	_ =	sdelay $0x3  }
0x5f: {  	s23 =	simm.s32 $0xC100  }
0x60: {  	[tilespmem:s23], [sflag:$0x1] =	stream.indirect_vreg.gather [hbm4b:s4+s2], $0x80, v6, vm0, $0xb8;
	[tilespmem:$0x10100] =	vst v63  }
0x61: {  	v5 =	vperm.xlane v5, v4;
	s23 =	simm.s32 $0xC900  }
0x62: {  	[tilespmem:s23], [sflag:$0x1] =	stream.indirect_vreg.gather [hbm4b:s6+s2], $0x80, v6, vm0, $0xb8;
	[tilespmem:$0x10100] =	vst v63  }
0x63: {  	s24 =	simm.s32 $0xD100;
	v5 =	vadd.s32 v3, v5  }
0x64: {  	[tilespmem:s24], [sflag:$0x1] =	stream.indirect_vreg.gather [hbm4b:s7+s2], $0x80, v6, vm0, $0xb8;
	[tilespmem:$0x10100] =	vst v63  }
0x65: {  	s24 =	simm.s32 $0xD900  }
0x66: {  	[tilespmem:s24], [sflag:$0x1] =	stream.indirect_vreg.gather [hbm4b:s8+s2], $0x80, v6, vm0, $0xb8;
	[tilespmem:$0x10100] =	vst v63  }
0x67: {  	s25 =	simm.s32 $0xE100  }
0x68: {  	[tilespmem:s25], [sflag:$0x1] =	stream.indirect_vreg.gather [hbm4b:s4+s2], $0x80, v5, vm0, $0xb8;
	[tilespmem:$0x10100] =	vst v63  }
0x69: {  	s25 =	simm.s32 $0xE900  }
0x6a: {  	[tilespmem:s25], [sflag:$0x1] =	stream.indirect_vreg.gather [hbm4b:s6+s2], $0x80, v5, vm0, $0xb8;
	[tilespmem:$0x10100] =	vst v63  }
0x6b: {  	s14 =	simm.s32 $0xF100  }
0x6c: {  	[tilespmem:s14], [sflag:$0x1] =	stream.indirect_vreg.gather [hbm4b:s7+s2], $0x80, v5, vm0, $0xb8;
	[tilespmem:$0x10100] =	vst v63  }
0x6d: {  	s14 =	simm.s32 $0xF900  }
0x6e: {  	[tilespmem:s14], [sflag:$0x1] =	stream.indirect_vreg.gather [hbm4b:s8+s2], $0x80, v5, vm0, $0xb8;
	[tilespmem:$0x10100] =	vst v63  }
0x6f: {  	_ =	swait.ge [sflag:s26], $0x10000  }
0x70: {  	[sflag:s26] =	ssyncset.done $0x0  }
0x71: {  	[sflag:s26] =	ssyncadd.s32 $0xFFFF0000  }
0x72: {  	v5 =	vld [tilespmem:$0x80];
	_ =	sdelay $0x4  }
0x73: {  	v6 =	vshll.u32 v5, $0x3  }
0x74: {  	v5 =	vand.u32 $0x7, v5;
	v6 =	vand.u32 $0xFFFFFFC0, v6  }
0x75: {  	v5 =	vor.u32 v5, v6  }
0x76: {  	v6 =	vperm.xlane v5, v2;
	_ =	sdelay $0x1  }
0x77: {  	v6 =	vadd.s32 v3, v6;
	_ =	sdelay $0x4  }
0x78: {  	[hbm4b:s5+s2] =	stream.indirect_vreg.scatter [tilespmem:s0], [sflag:$0x2], $0x80, v6, vm0, $0xb8;
	[tilespmem:$0x10100] =	vst v63  }
0x79: {  	v5 =	vperm.xlane v5, v4  }
0x7a: {  	[hbm4b:s9+s2] =	stream.indirect_vreg.scatter [tilespmem:s1], [sflag:$0x2], $0x80, v6, vm0, $0xb8;
	[tilespmem:$0x10100] =	vst v63  }
0x7b: {  	v5 =	vadd.s32 v3, v5;
	s0 =	simm.s32 $0x1100  }
0x7c: {  	[hbm4b:s10+s2] =	stream.indirect_vreg.scatter [tilespmem:s0], [sflag:$0x2], $0x80, v6, vm0, $0xb8;
	[tilespmem:$0x10100] =	vst v63  }
0x7d: {  	_ = 	snop  }
0x7e: {  	[hbm4b:s11+s2] =	stream.indirect_vreg.scatter [tilespmem:s12], [sflag:$0x2], $0x80, v6, vm0, $0xb8;
	[tilespmem:$0x10100] =	vst v63  }
0x7f: {  	s1 =	simm.s32 $0x2100  }
0x80: {  	[hbm4b:s5+s2] =	stream.indirect_vreg.scatter [tilespmem:s1], [sflag:$0x2], $0x80, v5, vm0, $0xb8;
	[tilespmem:$0x10100] =	vst v63  }
0x81: {  	_ = 	snop  }
0x82: {  	[hbm4b:s9+s2] =	stream.indirect_vreg.scatter [tilespmem:s13], [sflag:$0x2], $0x80, v5, vm0, $0xb8;
	[tilespmem:$0x10100] =	vst v63  }
0x83: {  	s12 =	simm.s32 $0x3100  }
0x84: {  	[hbm4b:s10+s2] =	stream.indirect_vreg.scatter [tilespmem:s12], [sflag:$0x2], $0x80, v5, vm0, $0xb8;
	[tilespmem:$0x10100] =	vst v63  }
0x85: {  	_ = 	snop  }
0x86: {  	[hbm4b:s11+s2] =	stream.indirect_vreg.scatter [tilespmem:s3], [sflag:$0x2], $0x80, v5, vm0, $0xb8;
	[tilespmem:$0x10100] =	vst v63  }
0x87: {  	v5 =	vld [tilespmem:$0x90];
	_ =	sdelay $0x4  }
0x88: {  	v6 =	vshll.u32 v5, $0x3  }
0x89: {  	v5 =	vand.u32 $0x7, v5;
	v6 =	vand.u32 $0xFFFFFFC0, v6  }
0x8a: {  	v5 =	vor.u32 v5, v6  }
0x8b: {  	v6 =	vperm.xlane v5, v2;
	_ =	sdelay $0x1  }
0x8c: {  	v6 =	vadd.s32 v3, v6;
	_ =	sdelay $0x3  }
0x8d: {  	s1 =	simm.s32 $0x4100  }
0x8e: {  	[hbm4b:s5+s2] =	stream.indirect_vreg.scatter [tilespmem:s1], [sflag:$0x2], $0x80, v6, vm0, $0xb8;
	[tilespmem:$0x10100] =	vst v63  }
0x8f: {  	v5 =	vperm.xlane v5, v4  }
0x90: {  	[hbm4b:s9+s2] =	stream.indirect_vreg.scatter [tilespmem:s15], [sflag:$0x2], $0x80, v6, vm0, $0xb8;
	[tilespmem:$0x10100] =	vst v63  }
0x91: {  	s13 =	simm.s32 $0x5100;
	v5 =	vadd.s32 v3, v5  }
0x92: {  	[hbm4b:s10+s2] =	stream.indirect_vreg.scatter [tilespmem:s13], [sflag:$0x2], $0x80, v6, vm0, $0xb8;
	[tilespmem:$0x10100] =	vst v63  }
0x93: {  	_ = 	snop  }
0x94: {  	[hbm4b:s11+s2] =	stream.indirect_vreg.scatter [tilespmem:s16], [sflag:$0x2], $0x80, v6, vm0, $0xb8;
	[tilespmem:$0x10100] =	vst v63  }
0x95: {  	s12 =	simm.s32 $0x6100  }
0x96: {  	[hbm4b:s5+s2] =	stream.indirect_vreg.scatter [tilespmem:s12], [sflag:$0x2], $0x80, v5, vm0, $0xb8;
	[tilespmem:$0x10100] =	vst v63  }
0x97: {  	_ = 	snop  }
0x98: {  	[hbm4b:s9+s2] =	stream.indirect_vreg.scatter [tilespmem:s17], [sflag:$0x2], $0x80, v5, vm0, $0xb8;
	[tilespmem:$0x10100] =	vst v63  }
0x99: {  	s16 =	simm.s32 $0x7100  }
0x9a: {  	[hbm4b:s10+s2] =	stream.indirect_vreg.scatter [tilespmem:s16], [sflag:$0x2], $0x80, v5, vm0, $0xb8;
	[tilespmem:$0x10100] =	vst v63  }
0x9b: {  	_ = 	snop  }
0x9c: {  	[hbm4b:s11+s2] =	stream.indirect_vreg.scatter [tilespmem:s18], [sflag:$0x2], $0x80, v5, vm0, $0xb8;
	[tilespmem:$0x10100] =	vst v63  }
0x9d: {  	v5 =	vld [tilespmem:$0xA0];
	_ =	sdelay $0x4  }
0x9e: {  	v6 =	vshll.u32 v5, $0x3  }
0x9f: {  	v5 =	vand.u32 $0x7, v5;
	v6 =	vand.u32 $0xFFFFFFC0, v6  }
0xa0: {  	v5 =	vor.u32 v5, v6  }
0xa1: {  	v6 =	vperm.xlane v5, v2;
	_ =	sdelay $0x1  }
0xa2: {  	v6 =	vadd.s32 v3, v6;
	_ =	sdelay $0x3  }
0xa3: {  	s15 =	simm.s32 $0x8100  }
0xa4: {  	[hbm4b:s5+s2] =	stream.indirect_vreg.scatter [tilespmem:s15], [sflag:$0x2], $0x80, v6, vm0, $0xb8;
	[tilespmem:$0x10100] =	vst v63  }
0xa5: {  	v5 =	vperm.xlane v5, v4  }
0xa6: {  	[hbm4b:s9+s2] =	stream.indirect_vreg.scatter [tilespmem:s19], [sflag:$0x2], $0x80, v6, vm0, $0xb8;
	[tilespmem:$0x10100] =	vst v63  }
0xa7: {  	s18 =	simm.s32 $0x9100;
	v5 =	vadd.s32 v3, v5  }
0xa8: {  	[hbm4b:s10+s2] =	stream.indirect_vreg.scatter [tilespmem:s18], [sflag:$0x2], $0x80, v6, vm0, $0xb8;
	[tilespmem:$0x10100] =	vst v63  }
0xa9: {  	_ = 	snop  }
0xaa: {  	[hbm4b:s11+s2] =	stream.indirect_vreg.scatter [tilespmem:s20], [sflag:$0x2], $0x80, v6, vm0, $0xb8;
	[tilespmem:$0x10100] =	vst v63  }
0xab: {  	s17 =	simm.s32 $0xA100  }
0xac: {  	[hbm4b:s5+s2] =	stream.indirect_vreg.scatter [tilespmem:s17], [sflag:$0x2], $0x80, v5, vm0, $0xb8;
	[tilespmem:$0x10100] =	vst v63  }
0xad: {  	_ = 	snop  }
0xae: {  	[hbm4b:s9+s2] =	stream.indirect_vreg.scatter [tilespmem:s21], [sflag:$0x2], $0x80, v5, vm0, $0xb8;
	[tilespmem:$0x10100] =	vst v63  }
0xaf: {  	s20 =	simm.s32 $0xB100  }
0xb0: {  	[hbm4b:s10+s2] =	stream.indirect_vreg.scatter [tilespmem:s20], [sflag:$0x2], $0x80, v5, vm0, $0xb8;
	[tilespmem:$0x10100] =	vst v63  }
0xb1: {  	_ = 	snop  }
0xb2: {  	[hbm4b:s11+s2] =	stream.indirect_vreg.scatter [tilespmem:s22], [sflag:$0x2], $0x80, v5, vm0, $0xb8;
	[tilespmem:$0x10100] =	vst v63  }
0xb3: {  	v5 =	vld [tilespmem:$0xB0];
	_ =	sdelay $0x4  }
0xb4: {  	v6 =	vshll.u32 v5, $0x3  }
0xb5: {  	v5 =	vand.u32 $0x7, v5;
	v6 =	vand.u32 $0xFFFFFFC0, v6  }
0xb6: {  	v5 =	vor.u32 v5, v6  }
0xb7: {  	v6 =	vperm.xlane v5, v2;
	_ =	sdelay $0x1  }
0xb8: {  	v6 =	vadd.s32 v3, v6;
	_ =	sdelay $0x3  }
0xb9: {  	s19 =	simm.s32 $0xC100  }
0xba: {  	[hbm4b:s5+s2] =	stream.indirect_vreg.scatter [tilespmem:s19], [sflag:$0x2], $0x80, v6, vm0, $0xb8;
	[tilespmem:$0x10100] =	vst v63  }
0xbb: {  	v5 =	vperm.xlane v5, v4  }
0xbc: {  	[hbm4b:s9+s2] =	stream.indirect_vreg.scatter [tilespmem:s23], [sflag:$0x2], $0x80, v6, vm0, $0xb8;
	[tilespmem:$0x10100] =	vst v63  }
0xbd: {  	s22 =	simm.s32 $0xD100;
	v5 =	vadd.s32 v3, v5  }
0xbe: {  	[hbm4b:s10+s2] =	stream.indirect_vreg.scatter [tilespmem:s22], [sflag:$0x2], $0x80, v6, vm0, $0xb8;
	[tilespmem:$0x10100] =	vst v63  }
0xbf: {  	_ = 	snop  }
0xc0: {  	[hbm4b:s11+s2] =	stream.indirect_vreg.scatter [tilespmem:s24], [sflag:$0x2], $0x80, v6, vm0, $0xb8;
	[tilespmem:$0x10100] =	vst v63  }
0xc1: {  	s21 =	simm.s32 $0xE100  }
0xc2: {  	[hbm4b:s5+s2] =	stream.indirect_vreg.scatter [tilespmem:s21], [sflag:$0x2], $0x80, v5, vm0, $0xb8;
	[tilespmem:$0x10100] =	vst v63  }
0xc3: {  	_ = 	snop  }
0xc4: {  	[hbm4b:s9+s2] =	stream.indirect_vreg.scatter [tilespmem:s25], [sflag:$0x2], $0x80, v5, vm0, $0xb8;
	[tilespmem:$0x10100] =	vst v63  }
0xc5: {  	p0 =	sne.s32 s30, $0x1C0;
	s24 =	simm.s32 $0xF100  }
0xc6: {  	[hbm4b:s10+s2] =	stream.indirect_vreg.scatter [tilespmem:s24], [sflag:$0x2], $0x80, v5, vm0, $0xb8;
	[tilespmem:$0x10100] =	vst v63  }
.Ltmp0:
0xc7: {  	_ = 	snop;
	(pc) =	sbr.rel @p0 .LBB2_2-.Ltmp0, $4  }
0xc8: {  	[hbm4b:s11+s2] =	stream.indirect_vreg.scatter [tilespmem:s14], [sflag:$0x2], $0x80, v5, vm0, $0xb8;
	[tilespmem:$0x10100] =	vst v63  }
0xc9: {  	_ =	swait.ge [sflag:s28], $0x10000  }
0xca: {  	s29 =	sadd.s32 $0x8, s29;
	[sflag:s28] =	ssyncset.done $0x0  }
0xcb: {  	s30 =	sadd.s32 $0x40, s30;
	s1 =	simm.s32 $0x3;
	[sflag:s28] =	ssyncadd.s32 $0xFFFF0000  }
0xcc: {  	s3 =	rddreg [dreg:$0x4]  }
0xcd: {  	s0 =	rddreg [dreg:$0x2];
	s3 =	sadd.s32 $0x1, s3  }
0xce: {  	p0 =	sne.s32 s3, s0  }
.Ltmp1:
0xcf: {  	_ = 	snop;
	(pc) =	sbr.rel @p0 .LBB2_1-.Ltmp1, $1  }
0xd0: {  	_ =	sdelay $0x3  }
0xd1: {  	_ =	sfence.sel $0x180000  }
0xd2: {  	[bflag:$0x0] =	sbarrier.arrive $0xFFFF  }
0xd3: {  	_ =	strace $0x9000004A  }
0xd4: {  	s0 =	stileid.u32;
	[bflag:$0x2] =	sbarrier.arrive $0xFFFF  }
0xd5: {  	p0 =	sne.s32 s0, $0x0;
	s0 =	rddreg [dreg:$0x1]  }
0xd6: {  	s0 =	sadd.s32 @!p0 $0x100000, s0  }
0xd7: {  	[sflag:s0] =	ssyncadd.tile.s32 @!p0 $0x1;
	_ =	shalt  }
.Lfunc_end2:
_tile_overlayer_lowered:
.L_overlay_start_2:
0xd8: {  	(tag) =	ssettag $0x2  }
0xd9: {  	s0 =	rddreg [dreg:$0x0];
	s2 =	stileid.u32  }
0xda: {  	s1 =	rddreg [dreg:$0x1];
	p0 =	sne.s32 s2, $0x0  }
0xdb: {  	s3 =	rddreg [dreg:$0x2];
	[bflag:$0x3] =	sbarrier.arrive $0xFFFF;
	s2 =	simm.s32 @!p0 $0x1C03  }
0xdc: {  	[timem:s3], [sflag:s2] =	dma.local @!p0 [hbm:s0], s1  }
0xdd: {  	s0 =	simm.s32 @!p0 $0x3  }
0xde: {  	_ =	swait.ge @!p0 [sflag:s0], s1  }
0xdf: {  	s1 =	ssub.s32 @!p0 $0x0, s1;
	[sflag:s0] =	ssyncset.done @!p0 $0x0  }
0xe0: {  	[sflag:s0] =	ssyncadd.s32 @!p0 s1  }
0xe1: {  	[bflag:$0x3] =	sbarrier.arrive $0xFFFF  }
0xe2: {  	_ =	shalt  }

// kernel: kernel.8.cloned.1.call-start
scs
__scs_entry_jumppad:
0x0: {  	(pc) =	sbr.rel $0x88, $3  }
0x1: {  	(tag) =	ssettag $0x0;
	lr =	simm.s32 $0x1  }
0x2: {  	[smem:$0x3F99] =	sst lr;
	_ =	strace $0xD0000000  }
0x3: {  	_ = 	snop  }
0x4: {  	_ = 	snop  }
0x5: {  	_ = 	snop  }
0x6: {  	_ = 	snop  }
0x7: {  	_ = 	snop  }
__scs_overlays_trampoline_lowered:
0x8: {  	[smem:$0x3FA8] =	sst s0  }
0x9: {  	[smem:$0x3FA9] =	sst s1  }
0xa: {  	[smem:$0x3FAA] =	sst s2  }
0xb: {  	[smem:$0x3FAB] =	sst s3  }
0xc: {  	[smem:$0x3FAC] =	sst s4  }
0xd: {  	[smem:$0x3FAD] =	sst s5  }
0xe: {  	[smem:$0x3FAE] =	sst s6  }
0xf: {  	[smem:$0x3FAF] =	sst s7  }
0x10: {  	[smem:$0x3FB0] =	sst s8  }
0x11: {  	[smem:$0x3FB1] =	sst s9;
	s0 =	simm.s32 @!p0 $0x0  }
0x12: {  	s1 =	sld [smem:$0x3F97];
	s0 =	simm.s32 @p0 $0x1  }
0x13: {  	[smem:$0x3FB2] =	sst s0;
	s0 =	simm.s32 @!p1 $0x0  }
0x14: {  	s2 =	sld [smem:$0x3F96];
	s0 =	simm.s32 @p1 $0x1  }
0x15: {  	[smem:$0x3FB3] =	sst s0;
	s0 =	simm.s32 @!p2 $0x0  }
0x16: {  	s3 =	sld [smem:$0x3FDB];
	s0 =	simm.s32 @p2 $0x1  }
0x17: {  	s4 =	simm.s32 $0x1BF5;
	[smem:$0x3FB5] =	sst s0  }
0x18: {  	s0 =	sld [smem:$0x3F98];
	_ =	swait.ge [sflag:s4], $0x0  }
0x19: {  	s7 =	sld [smem:$0x3F99]  }
0x1a: {  	s8 =	sadd.s32 $0xFFFFE003, lr  }
0x1b: {  	s9 =	sadd.s32 $0xFFFFFEF7, lr;
	s5 =	simm.s32 $0xFFFFFFFF;
	p2 =	slt.u32 s8, $0xFFFFF086  }
0x1c: {  	p1 =	slt.u32 s9, $0xF7A;
	s5 =	simm.s32 @!p2 $0x0  }
0x1d: {  	s5 =	simm.s32 @p1 $0x1;
	p0 =	seq.s32 s7, s2  }
0x1e: {  	s7 =	smul.u32 @!p0 $0xF7A, s2;
	p2 =	seq.s32 @!p0 s5, $0x0  }
0x1f: {  	s9 =	smul.u32 $0xF7A, s1;
	s8 =	simm.s32 @!p0 $0x1BF5;
	p2 =	por !p2, p0  }
0x20: {  	[sflag:s8] =	ssyncset.s32 @!p0 $0xFFFFF086;
	s6 =	sadd.s32 @!p0 s3, s7;
	s7 =	simm.s32 @!p0 $0x108  }
0x21: {  	s3 =	sadd.s32 s3, s9;
	s6 =	sadd.s32 @!p0 $0x88, s6;
	s7 =	simm.s32 @p2 $0x1082  }
0x22: {  	[simem:s7], [sflag:s8] =	dma.local @!p0 [hbm:s6], $0xF7A  }
0x23: {  	s9 =	sor.u32 $0xD0000000, s2;
	s6 =	simm.s32 $0x108;
	_ =	swait.ge @!p0 [sflag:s8], $0x0  }
0x24: {  	s3 =	sadd.s32 $0x88, s3;
	s6 =	simm.s32 @!p1 $0x1082;
	[sflag:s4] =	ssyncset.s32 $0xFFFFF086  }
0x25: {  	[simem:s6], [sflag:s4] =	dma.local [hbm:s3], $0xF7A  }
0x26: {  	[smem:$0x3F99] =	sst s1;
	(tag) =	ssettag s2;
	_ =	strace s9  }
0x27: {  	s1 =	sld [smem:$0x3FA9]  }
0x28: {  	s2 =	sld [smem:$0x3FAA]  }
0x29: {  	s4 =	sld [smem:$0x3FAC]  }
0x2a: {  	p0 =	seq.s32 s5, $0x0;
	s5 =	sld [smem:$0x3FAD]  }
0x2b: {  	s6 =	sld [smem:$0x3FAE]  }
0x2c: {  	s7 =	sld [smem:$0x3FAF]  }
0x2d: {  	s3 =	simm.s32 $0x108;
	s8 =	sld [smem:$0x3FB0]  }
0x2e: {  	s3 =	simm.s32 @!p0 $0x1082;
	s9 =	sld [smem:$0x3FB1]  }
0x2f: {  	lr =	sadd.s32 s0, s3;
	s0 =	sld [smem:$0x3FA8]  }
0x30: {  	s3 =	sld [smem:$0x3FAB]  }
0x31: {  	[smem:$0x3FB4] =	sst s10  }
0x32: {  	s10 =	sld [smem:$0x3FB2];
	_ =	sdelay $0x3  }
0x33: {  	p0 =	seq.s32 s10, $0x1;
	s10 =	sld [smem:$0x3FB4];
	_ =	sdelay $0x3  }
0x34: {  	[smem:$0x3FB4] =	sst s10  }
0x35: {  	s10 =	sld [smem:$0x3FB3];
	_ =	sdelay $0x3  }
0x36: {  	p1 =	seq.s32 s10, $0x1;
	s10 =	sld [smem:$0x3FB4];
	_ =	sdelay $0x3  }
0x37: {  	[smem:$0x3FB4] =	sst s10  }
0x38: {  	s10 =	sld [smem:$0x3FB5]  }
0x39: {  	_ = 	snop;
	(pc) =	sbr.ind lr, $3  }
0x3a: {  	_ = 	snop  }
0x3b: {  	_ = 	snop  }
0x3c: {  	p2 =	seq.s32 s10, $0x1;
	s10 =	sld [smem:$0x3FB4]  }
0x3d: {  	_ =	shalt  }
0x3e: {  	_ =	shalt  }
0x3f: {  	_ =	shalt  }
0x40: {  	_ =	shalt  }
0x41: {  	_ =	shalt  }
0x42: {  	_ =	shalt  }
0x43: {  	_ =	shalt  }
0x44: {  	_ =	shalt  }
0x45: {  	_ =	shalt  }
0x46: {  	_ =	shalt  }
0x47: {  	_ =	shalt  }
0x48: {  	_ =	shalt  }
0x49: {  	_ =	shalt  }
0x4a: {  	_ =	shalt  }
0x4b: {  	_ =	shalt  }
0x4c: {  	_ =	shalt  }
0x4d: {  	_ =	shalt  }
0x4e: {  	_ =	shalt  }
0x4f: {  	_ =	shalt  }
0x50: {  	_ =	shalt  }
0x51: {  	_ =	shalt  }
0x52: {  	_ =	shalt  }
0x53: {  	_ =	shalt  }
0x54: {  	_ =	shalt  }
0x55: {  	_ =	shalt  }
0x56: {  	_ =	shalt  }
0x57: {  	_ =	shalt  }
0x58: {  	_ =	shalt  }
0x59: {  	_ =	shalt  }
0x5a: {  	_ =	shalt  }
0x5b: {  	_ =	shalt  }
0x5c: {  	_ =	shalt  }
0x5d: {  	_ =	shalt  }
0x5e: {  	_ =	shalt  }
0x5f: {  	_ =	shalt  }
0x60: {  	_ =	shalt  }
0x61: {  	_ =	shalt  }
0x62: {  	_ =	shalt  }
0x63: {  	_ =	shalt  }
0x64: {  	_ =	shalt  }
0x65: {  	_ =	shalt  }
0x66: {  	_ =	shalt  }
0x67: {  	_ =	shalt  }
0x68: {  	_ =	shalt  }
0x69: {  	_ =	shalt  }
0x6a: {  	_ =	shalt  }
0x6b: {  	_ =	shalt  }
0x6c: {  	_ =	shalt  }
0x6d: {  	_ =	shalt  }
0x6e: {  	_ =	shalt  }
0x6f: {  	_ =	shalt  }
0x70: {  	_ =	shalt  }
0x71: {  	_ =	shalt  }
0x72: {  	_ =	shalt  }
0x73: {  	_ =	shalt  }
0x74: {  	_ =	shalt  }
0x75: {  	_ =	shalt  }
0x76: {  	_ =	shalt  }
0x77: {  	_ =	shalt  }
0x78: {  	_ =	shalt  }
0x79: {  	_ =	shalt  }
0x7a: {  	_ =	shalt  }
0x7b: {  	_ =	shalt  }
0x7c: {  	_ =	shalt  }
0x7d: {  	_ =	shalt  }
0x7e: {  	_ =	shalt  }
0x7f: {  	_ =	shalt  }
0x80: {  	_ =	shalt  }
0x81: {  	_ =	shalt  }
0x82: {  	_ =	shalt  }
0x83: {  	_ =	shalt  }
0x84: {  	_ =	shalt  }
0x85: {  	_ =	shalt  }
0x86: {  	_ =	shalt  }
0x87: {  	_ =	shalt  }
.Lfunc_end0:
.L_simem_size_0:
called_computation_lowered:
.L_overlay_start_0:
0x88: {  	s2 =	sld [smem:$0x3FD9]  }
0x89: {  	s3 =	sld [smem:$0x3FFE];
	_ =	sdelay $0x1  }
0x8a: {  	s1 =	srdreg.scid  }
0x8b: {  	s0 =	sand.u32 $0x1, s1  }
0x8c: {  	s17 =	sshll.u32 s0, $0xA;
	s2 =	sadd.s32 s3, s2  }
0x8d: {  	s2 =	sadd.s32 s2, s17  }
0x8e: {  	[smem:$0x3FC0] =	sst s2  }
0x8f: {  	_ = 	snop  }
0x90: {  	s2 =	sld [smem:$0x3FC9];
	(tm) =	ssettm $0x1  }
0x91: {  	s18 =	sld [smem:$0x3FFB];
	_ =	sdelay $0x3  }
0x92: {  	_ =	strace s18  }
0x93: {  	s3 =	sld [smem:$0x3FFC];
	_ =	sdelay $0x3  }
0x94: {  	_ =	strace s3  }
0x95: {  	s3 =	sld [smem:$0x3FFD];
	_ =	sdelay $0x3  }
0x96: {  	_ =	strace s3  }
0x97: {  	_ =	strace $0x8FFFFFFF  }
0x98: {  	s19 =	sld [smem:$0x3FDB];
	_ =	sdelay $0x1  }
0x99: {  	s4 =	simm.s32 $_scs_section_size  }
0x9a: {  	s5 =	simm.s32 $_size__tile_overlayer_lowered;
	s6 =	simm.s32 $_tile_overlayer_lowered  }
0x9b: {  	s22 =	simm.s32 $0x1BFF;
	s21 =	sshll.u32 s6, $0x1;
	s3 =	sadd.s32 s4, s19  }
0x9c: {  	s7 =	simm.s32 $0x0;
	s20 =	sshll.u32 s5, $0x1;
	s5 =	sadd.s32 s21, s3  }
0x9d: {  	[timem:s7], [sflag:s22] =	dma.local [hbm:s5], s20  }
0x9e: {  	_ =	swait.ge [sflag:s22], s20  }
0x9f: {  	s4 =	ssub.s32 $0x0, s20;
	[sflag:s22] =	ssyncset.done $0x0  }
0xa0: {  	[sflag:s22] =	ssyncadd.s32 s4;
	_ =	sdelay $0x1  }
0xa1: {  	s23 =	simm.s32 $0x1B8B  }
0xa2: {  	_ =	swait.ge [sflag:s23], $0x1  }
0xa3: {  	[sflag:s23] =	ssyncset.done $0x0  }
0xa4: {  	s25 =	simm.s32 $0x1B8E;
	s24 =	sld [smem:$0x3FFE];
	[sflag:s23] =	ssyncadd.s32 $0xFFFFFFFF  }
0xa5: {  	s26 =	simm.s32 $execute0_lowered;
	[smem:$0x3FD2] =	sst s25  }
0xa6: {  	s5 =	sshll.u32 s26, $0x1;
	_ =	strace $0x80000046;
	[dreg:$0x1] =	wrdreg $0xFFFFFFFF  }
0xa7: {  	s28 =	simm.s32 $_size_execute0_lowered;
	s3 =	sadd.s32 s3, s5;
	[dreg:$0x0] =	wrdreg $0x0  }
0xa8: {  	s5 =	sshll.u32 s28, $0x1;
	[dreg:$0x2] =	wrdreg s3  }
0xa9: {  	[dreg:$0x3] =	wrdreg s5  }
0xaa: {  	[dreg:$0x4] =	wrdreg $0xC0  }
0xab: {  	_ =	task [dreg:s7], $0x5FFFF  }
0xac: {  	[dreg:$0x1] =	wrdreg $0xFFFFFFFF  }
0xad: {  	[dreg:$0x0] =	wrdreg $0x60  }
0xae: {  	[dreg:$0x2] =	wrdreg s2  }
0xaf: {  	[dreg:$0x3] =	wrdreg s24  }
0xb0: {  	[dreg:$0x4] =	wrdreg $0x9  }
0xb1: {  	_ =	task.clear_ibuf [dreg:s7], $0x5FFFF;
	_ =	strace $0x90000046  }
0xb2: {  	s29 =	simm.s32 $0x9;
	_ =	strace $0x80000048  }
0xb3: {  	_ =	swait.ge [sflag:s29], $0x1  }
0xb4: {  	[sflag:s29] =	ssyncadd.s32 $0xFFFFFFFF  }
0xb5: {  	_ =	strace $0x90000048  }
0xb6: {  	_ =	sfence  }
0xb7: {  	s30 =	sld [smem:$0x0];
	_ =	sdelay $0x2  }
0xb8: {  	s31 =	sshll.u32 s1, $0xD;
	s1 =	sshrl.u32 s1, $0x2  }
0xb9: {  	s3 =	sand.u32 $0x4000, s31;
	s1 =	sadd.s32 s1, s30  }
0xba: {  	s0 =	sor.u32 s3, s0;
	s1 =	sshll.u32 s1, $0x11  }
0xbb: {  	s0 =	sor.u32 s1, s0  }
0xbc: {  	s0 =	sadd.s32 $0x8F2B, s0  }
0xbd: {  	[sflag:s0] =	ssyncadd.remote.s32 $0x1  }
0xbe: {  	_ =	sfence.sel $0xFFFF  }
0xbf: {  	[dreg:$0x0] =	wrdreg $0xFFFFFFFF;
	(pc) =	sbr.abs _section_cstart, $3  }
0xc0: {  	[dreg:$0x1] =	wrdreg $0xFFFFFFFF  }
0xc1: {  	_ =	task.clear_ibuf [dreg:s7], $0x2FFFF;
	_ =	strace $0x9FFFFFFF  }
0xc2: {  	(tm) =	ssettm $0x7FFFFFFF  }
0xc3: {  	_ =	shalt  }
tec
execute0_lowered:
.L_overlay_start_1:
0x0: {  	(tag) =	ssettag $0x1  }
0x1: {  	s2 =	rddreg [dreg:$0x0]  }
0x2: {  	s0 =	rddreg [dreg:$0x1];
	s1 =	srdreg.scid  }
0x3: {  	s4 =	stileid.u32;
	s3 =	simm.s32 $0x0;
	s26 =	simm.s32 $0x3  }
0x4: {  	s28 =	simm.s32 $0xF900;
	s1 =	sand.u32 $0x1, s1;
	s4 =	sshll.u32 s4, $0xA  }
0x5: {  	[smem:$0x7FF] =	sst s3;
	s7 =	sadd.s32 $0x200, s2;
	s8 =	sadd.s32 $0x300, s2  }
0x6: {  	s9 =	sadd.s32 $0x2D00, s0;
	s5 =	sshll.u32 s1, $0x9;
	s1 =	ssub.s32 $0x2, s1  }
0x7: {  	s10 =	sadd.s32 $0x2E00, s0;
	s31 =	sor.u32 s5, s4;
	s6 =	sshrl.u32 s1, $0x1  }
0x8: {  	s11 =	sadd.s32 $0x2F00, s0;
	s4 =	sshrl.u32 s31, $0x3;
	s1 =	ssub.s32 s1, s6  }
0x9: {  	v0 =	vlaneseq.u32;
	_ =	strace $0x80000047;
	s4 =	sadd.s32 s4, s0;
	s29 =	smax.u32 s1, $0x1  }
0xa: {  	vm0 =	vmmov $0xffff;
	v2 =	vshrl.u32 v0, $0x3;
	s5 =	sadd.s32 $0x2C00, s0;
	[dreg:$0x3] =	wrdreg s29;
	s30 =	sadd.s32 $0x2400, s4  }
0xb: {  	v1 =	vand.u32 $0x7, v0;
	v3 =	vor.u32 $0x8, v0;
	v2 =	vmul.u32 $0x8, v2;
	s6 =	sadd.s32 $0x100, s2;
	s1 =	simm.s32 $0x0;
	[dreg:$0x4] =	wrdreg s30  }
.LBB2_1:
0xc: {  	[dreg:$0x5] =	wrdreg s1  }
0xd: {  	s29 =	rddreg [dreg:$0x4];
	s30 =	simm.s32 $0x0  }
.LBB2_2:
0xe: {  	s1 =	smov.u32 s31;
	s31 =	sadd.s32 s30, s31  }
0xf: {  	v4 =	vmov s31;
	v5 =	vor.u32 s31, v0  }
0x10: {  	v5 =	vshrl.u32 v5, $0x1;
	v4 =	vshll.u32 v4, $0x2  }
0x11: {  	v6 =	vand.u32 $0x7, v5;
	v4 =	vand.u32 $0xFFFFFFC0, v4  }
0x12: {  	[tilespmem:s3], [sflag:$0x3] =	stream.linear.gather [hbm4b:s29+s3], $0x40, $0x38;
	v4 =	vor.u32 v6, v4;
	[tilespmem:$0x10100] =	vst v63  }
0x13: {  	_ =	swait.ge [sflag:s26], $0x40;
	v6 =	vperm.xlane v4, v1  }
0x14: {  	s0 =	sadd.s32 $0x10, s31;
	[sflag:s26] =	ssyncset.done $0x0  }
0x15: {  	v7 =	vor.u32 s0, v0;
	s0 =	sadd.s32 $0x20, s31;
	[sflag:s26] =	ssyncadd.s32 $0xFFFFFFC0;
	v6 =	vadd.s32 v2, v6  }
0x16: {  	v8 =	vor.u32 s0, v0;
	s0 =	sadd.s32 $0x30, s31;
	[tilespmem:$0x80] =	vst v5;
	v5 =	vshrl.u32 v7, $0x1  }
0x17: {  	v63 =	vor.u32 s0, v0;
	[tilespmem:$0x90] =	vst v5;
	v5 =	vshrl.u32 v8, $0x1  }
0x18: {  	[tilespmem:$0xA0] =	vst v5;
	v5 =	vshrl.u32 v63, $0x1  }
0x19: {  	s31 =	smov.u32 s1;
	s1 =	simm.s32 $0x100;
	[tilespmem:$0xB0] =	vst v5  }
0x1a: {  	[tilespmem:s1], [sflag:$0x1] =	stream.indirect_vreg.gather [hbm4b:s2+s3], $0x80, v6, vm0, $0xb8;
	[tilespmem:$0x10100] =	vst v63  }
0x1b: {  	s12 =	simm.s32 $0x900;
	v4 =	vperm.xlane v4, v3  }
0x1c: {  	[tilespmem:s12], [sflag:$0x1] =	stream.indirect_vreg.gather [hbm4b:s6+s3], $0x80, v6, vm0, $0xb8;
	[tilespmem:$0x10100] =	vst v63  }
0x1d: {  	v4 =	vadd.s32 v2, v4;
	s12 =	simm.s32 $0x1100  }
0x1e: {  	[tilespmem:s12], [sflag:$0x1] =	stream.indirect_vreg.gather [hbm4b:s7+s3], $0x80, v6, vm0, $0xb8;
	[tilespmem:$0x10100] =	vst v63  }
0x1f: {  	s13 =	simm.s32 $0x1900  }
0x20: {  	[tilespmem:s13], [sflag:$0x1] =	stream.indirect_vreg.gather [hbm4b:s8+s3], $0x80, v6, vm0, $0xb8;
	[tilespmem:$0x10100] =	vst v63  }
0x21: {  	s13 =	simm.s32 $0x2100  }
0x22: {  	[tilespmem:s13], [sflag:$0x1] =	stream.indirect_vreg.gather [hbm4b:s2+s3], $0x80, v4, vm0, $0xb8;
	[tilespmem:$0x10100] =	vst v63  }
0x23: {  	s4 =	simm.s32 $0x2900  }
0x24: {  	[tilespmem:s4], [sflag:$0x1] =	stream.indirect_vreg.gather [hbm4b:s6+s3], $0x80, v4, vm0, $0xb8;
	[tilespmem:$0x10100] =	vst v63  }
0x25: {  	s4 =	simm.s32 $0x3100  }
0x26: {  	[tilespmem:s4], [sflag:$0x1] =	stream.indirect_vreg.gather [hbm4b:s7+s3], $0x80, v4, vm0, $0xb8;
	[tilespmem:$0x10100] =	vst v63  }
0x27: {  	s15 =	simm.s32 $0x3900  }
0x28: {  	[tilespmem:s15], [sflag:$0x1] =	stream.indirect_vreg.gather [hbm4b:s8+s3], $0x80, v4, vm0, $0xb8;
	[tilespmem:$0x10100] =	vst v63  }
0x29: {  	v4 =	vld [tilespmem:$0x90];
	_ =	sdelay $0x4  }
0x2a: {  	v5 =	vshll.u32 v4, $0x3  }
0x2b: {  	v4 =	vand.u32 $0x7, v4;
	v5 =	vand.u32 $0xFFFFFFC0, v5  }
0x2c: {  	v4 =	vor.u32 v4, v5  }
0x2d: {  	v5 =	vperm.xlane v4, v1;
	_ =	sdelay $0x1  }
0x2e: {  	v5 =	vadd.s32 v2, v5;
	_ =	sdelay $0x3  }
0x2f: {  	s15 =	simm.s32 $0x4100  }
0x30: {  	[tilespmem:s15], [sflag:$0x1] =	stream.indirect_vreg.gather [hbm4b:s2+s3], $0x80, v5, vm0, $0xb8;
	[tilespmem:$0x10100] =	vst v63  }
0x31: {  	s16 =	simm.s32 $0x4900;
	v4 =	vperm.xlane v4, v3  }
0x32: {  	[tilespmem:s16], [sflag:$0x1] =	stream.indirect_vreg.gather [hbm4b:s6+s3], $0x80, v5, vm0, $0xb8;
	[tilespmem:$0x10100] =	vst v63  }
0x33: {  	v4 =	vadd.s32 v2, v4;
	s16 =	simm.s32 $0x5100  }
0x34: {  	[tilespmem:s16], [sflag:$0x1] =	stream.indirect_vreg.gather [hbm4b:s7+s3], $0x80, v5, vm0, $0xb8;
	[tilespmem:$0x10100] =	vst v63  }
0x35: {  	s17 =	simm.s32 $0x5900  }
0x36: {  	[tilespmem:s17], [sflag:$0x1] =	stream.indirect_vreg.gather [hbm4b:s8+s3], $0x80, v5, vm0, $0xb8;
	[tilespmem:$0x10100] =	vst v63  }
0x37: {  	s17 =	simm.s32 $0x6100  }
0x38: {  	[tilespmem:s17], [sflag:$0x1] =	stream.indirect_vreg.gather [hbm4b:s2+s3], $0x80, v4, vm0, $0xb8;
	[tilespmem:$0x10100] =	vst v63  }
0x39: {  	s18 =	simm.s32 $0x6900  }
0x3a: {  	[tilespmem:s18], [sflag:$0x1] =	stream.indirect_vreg.gather [hbm4b:s6+s3], $0x80, v4, vm0, $0xb8;
	[tilespmem:$0x10100] =	vst v63  }
0x3b: {  	s18 =	simm.s32 $0x7100  }
0x3c: {  	[tilespmem:s18], [sflag:$0x1] =	stream.indirect_vreg.gather [hbm4b:s7+s3], $0x80, v4, vm0, $0xb8;
	[tilespmem:$0x10100] =	vst v63  }
0x3d: {  	s19 =	simm.s32 $0x7900  }
0x3e: {  	[tilespmem:s19], [sflag:$0x1] =	stream.indirect_vreg.gather [hbm4b:s8+s3], $0x80, v4, vm0, $0xb8;
	[tilespmem:$0x10100] =	vst v63  }
0x3f: {  	v4 =	vld [tilespmem:$0xA0];
	_ =	sdelay $0x4  }
0x40: {  	v5 =	vshll.u32 v4, $0x3  }
0x41: {  	v4 =	vand.u32 $0x7, v4;
	v5 =	vand.u32 $0xFFFFFFC0, v5  }
0x42: {  	v4 =	vor.u32 v4, v5  }
0x43: {  	v5 =	vperm.xlane v4, v1;
	_ =	sdelay $0x1  }
0x44: {  	v5 =	vadd.s32 v2, v5;
	_ =	sdelay $0x3  }
0x45: {  	s19 =	simm.s32 $0x8100  }
0x46: {  	[tilespmem:s19], [sflag:$0x1] =	stream.indirect_vreg.gather [hbm4b:s2+s3], $0x80, v5, vm0, $0xb8;
	[tilespmem:$0x10100] =	vst v63  }
0x47: {  	s20 =	simm.s32 $0x8900;
	v4 =	vperm.xlane v4, v3  }
0x48: {  	[tilespmem:s20], [sflag:$0x1] =	stream.indirect_vreg.gather [hbm4b:s6+s3], $0x80, v5, vm0, $0xb8;
	[tilespmem:$0x10100] =	vst v63  }
0x49: {  	v4 =	vadd.s32 v2, v4;
	s20 =	simm.s32 $0x9100  }
0x4a: {  	[tilespmem:s20], [sflag:$0x1] =	stream.indirect_vreg.gather [hbm4b:s7+s3], $0x80, v5, vm0, $0xb8;
	[tilespmem:$0x10100] =	vst v63  }
0x4b: {  	s21 =	simm.s32 $0x9900  }
0x4c: {  	[tilespmem:s21], [sflag:$0x1] =	stream.indirect_vreg.gather [hbm4b:s8+s3], $0x80, v5, vm0, $0xb8;
	[tilespmem:$0x10100] =	vst v63  }
0x4d: {  	s21 =	simm.s32 $0xA100  }
0x4e: {  	[tilespmem:s21], [sflag:$0x1] =	stream.indirect_vreg.gather [hbm4b:s2+s3], $0x80, v4, vm0, $0xb8;
	[tilespmem:$0x10100] =	vst v63  }
0x4f: {  	s22 =	simm.s32 $0xA900  }
0x50: {  	[tilespmem:s22], [sflag:$0x1] =	stream.indirect_vreg.gather [hbm4b:s6+s3], $0x80, v4, vm0, $0xb8;
	[tilespmem:$0x10100] =	vst v63  }
0x51: {  	s22 =	simm.s32 $0xB100  }
0x52: {  	[tilespmem:s22], [sflag:$0x1] =	stream.indirect_vreg.gather [hbm4b:s7+s3], $0x80, v4, vm0, $0xb8;
	[tilespmem:$0x10100] =	vst v63  }
0x53: {  	s23 =	simm.s32 $0xB900  }
0x54: {  	[tilespmem:s23], [sflag:$0x1] =	stream.indirect_vreg.gather [hbm4b:s8+s3], $0x80, v4, vm0, $0xb8;
	[tilespmem:$0x10100] =	vst v63  }
0x55: {  	v4 =	vld [tilespmem:$0xB0];
	_ =	sdelay $0x4  }
0x56: {  	v5 =	vshll.u32 v4, $0x3  }
0x57: {  	v4 =	vand.u32 $0x7, v4;
	v5 =	vand.u32 $0xFFFFFFC0, v5  }
0x58: {  	v4 =	vor.u32 v4, v5  }
0x59: {  	v5 =	vperm.xlane v4, v1;
	_ =	sdelay $0x1  }
0x5a: {  	v5 =	vadd.s32 v2, v5;
	_ =	sdelay $0x3  }
0x5b: {  	s23 =	simm.s32 $0xC100  }
0x5c: {  	[tilespmem:s23], [sflag:$0x1] =	stream.indirect_vreg.gather [hbm4b:s2+s3], $0x80, v5, vm0, $0xb8;
	[tilespmem:$0x10100] =	vst v63  }
0x5d: {  	s24 =	simm.s32 $0xC900;
	v4 =	vperm.xlane v4, v3  }
0x5e: {  	[tilespmem:s24], [sflag:$0x1] =	stream.indirect_vreg.gather [hbm4b:s6+s3], $0x80, v5, vm0, $0xb8;
	[tilespmem:$0x10100] =	vst v63  }
0x5f: {  	v4 =	vadd.s32 v2, v4;
	s24 =	simm.s32 $0xD100  }
0x60: {  	[tilespmem:s24], [sflag:$0x1] =	stream.indirect_vreg.gather [hbm4b:s7+s3], $0x80, v5, vm0, $0xb8;
	[tilespmem:$0x10100] =	vst v63  }
0x61: {  	s25 =	simm.s32 $0xD900  }
0x62: {  	[tilespmem:s25], [sflag:$0x1] =	stream.indirect_vreg.gather [hbm4b:s8+s3], $0x80, v5, vm0, $0xb8;
	[tilespmem:$0x10100] =	vst v63  }
0x63: {  	s25 =	simm.s32 $0xE100  }
0x64: {  	[tilespmem:s25], [sflag:$0x1] =	stream.indirect_vreg.gather [hbm4b:s2+s3], $0x80, v4, vm0, $0xb8;
	[tilespmem:$0x10100] =	vst v63  }
0x65: {  	s14 =	simm.s32 $0xE900  }
0x66: {  	[tilespmem:s14], [sflag:$0x1] =	stream.indirect_vreg.gather [hbm4b:s6+s3], $0x80, v4, vm0, $0xb8;
	[tilespmem:$0x10100] =	vst v63  }
0x67: {  	s14 =	simm.s32 $0xF100  }
0x68: {  	[tilespmem:s14], [sflag:$0x1] =	stream.indirect_vreg.gather [hbm4b:s7+s3], $0x80, v4, vm0, $0xb8;
	[tilespmem:$0x10100] =	vst v63  }
0x69: {  	s0 =	simm.s32 $0x1  }
0x6a: {  	[tilespmem:s28], [sflag:$0x1] =	stream.indirect_vreg.gather [hbm4b:s8+s3], $0x80, v4, vm0, $0xb8;
	[tilespmem:$0x10100] =	vst v63  }
0x6b: {  	_ =	swait.ge [sflag:s0], $0x10000  }
0x6c: {  	[sflag:s0] =	ssyncset.done $0x0  }
0x6d: {  	[sflag:s0] =	ssyncadd.s32 $0xFFFF0000  }
0x6e: {  	v4 =	vld [tilespmem:$0x0];
	_ =	sdelay $0x4  }
0x6f: {  	v5 =	vshll.u32 v4, $0x3  }
0x70: {  	v4 =	vand.u32 $0x7, v4;
	v5 =	vand.u32 $0xFFFFFFC0, v5  }
0x71: {  	v4 =	vor.u32 v4, v5  }
0x72: {  	v5 =	vperm.xlane v4, v1;
	_ =	sdelay $0x1  }
0x73: {  	v5 =	vadd.s32 v2, v5;
	_ =	sdelay $0x4  }
0x74: {  	[hbm4b:s5+s3] =	stream.indirect_vreg.scatter [tilespmem:s1], [sflag:$0x2], $0x80, v5, vm0, $0xb8;
	[tilespmem:$0x10100] =	vst v63  }
0x75: {  	s0 =	simm.s32 $0x900;
	v4 =	vperm.xlane v4, v3  }
0x76: {  	[hbm4b:s9+s3] =	stream.indirect_vreg.scatter [tilespmem:s0], [sflag:$0x2], $0x80, v5, vm0, $0xb8;
	[tilespmem:$0x10100] =	vst v63  }
0x77: {  	v4 =	vadd.s32 v2, v4  }
0x78: {  	[hbm4b:s10+s3] =	stream.indirect_vreg.scatter [tilespmem:s12], [sflag:$0x2], $0x80, v5, vm0, $0xb8;
	[tilespmem:$0x10100] =	vst v63  }
0x79: {  	s1 =	simm.s32 $0x1900  }
0x7a: {  	[hbm4b:s11+s3] =	stream.indirect_vreg.scatter [tilespmem:s1], [sflag:$0x2], $0x80, v5, vm0, $0xb8;
	[tilespmem:$0x10100] =	vst v63  }
0x7b: {  	_ = 	snop  }
0x7c: {  	[hbm4b:s5+s3] =	stream.indirect_vreg.scatter [tilespmem:s13], [sflag:$0x2], $0x80, v4, vm0, $0xb8;
	[tilespmem:$0x10100] =	vst v63  }
0x7d: {  	s12 =	simm.s32 $0x2900  }
0x7e: {  	[hbm4b:s9+s3] =	stream.indirect_vreg.scatter [tilespmem:s12], [sflag:$0x2], $0x80, v4, vm0, $0xb8;
	[tilespmem:$0x10100] =	vst v63  }
0x7f: {  	_ = 	snop  }
0x80: {  	[hbm4b:s10+s3] =	stream.indirect_vreg.scatter [tilespmem:s4], [sflag:$0x2], $0x80, v4, vm0, $0xb8;
	[tilespmem:$0x10100] =	vst v63  }
0x81: {  	s1 =	simm.s32 $0x3900  }
0x82: {  	[hbm4b:s11+s3] =	stream.indirect_vreg.scatter [tilespmem:s1], [sflag:$0x2], $0x80, v4, vm0, $0xb8;
	[tilespmem:$0x10100] =	vst v63  }
0x83: {  	v4 =	vld [tilespmem:$0x10];
	_ =	sdelay $0x4  }
0x84: {  	v5 =	vshll.u32 v4, $0x3  }
0x85: {  	v4 =	vand.u32 $0x7, v4;
	v5 =	vand.u32 $0xFFFFFFC0, v5  }
0x86: {  	v4 =	vor.u32 v4, v5  }
0x87: {  	v5 =	vperm.xlane v4, v1;
	_ =	sdelay $0x1  }
0x88: {  	v5 =	vadd.s32 v2, v5;
	_ =	sdelay $0x4  }
0x89: {  	[hbm4b:s5+s3] =	stream.indirect_vreg.scatter [tilespmem:s15], [sflag:$0x2], $0x80, v5, vm0, $0xb8;
	[tilespmem:$0x10100] =	vst v63  }
0x8a: {  	s13 =	simm.s32 $0x4900;
	v4 =	vperm.xlane v4, v3  }
0x8b: {  	[hbm4b:s9+s3] =	stream.indirect_vreg.scatter [tilespmem:s13], [sflag:$0x2], $0x80, v5, vm0, $0xb8;
	[tilespmem:$0x10100] =	vst v63  }
0x8c: {  	v4 =	vadd.s32 v2, v4  }
0x8d: {  	[hbm4b:s10+s3] =	stream.indirect_vreg.scatter [tilespmem:s16], [sflag:$0x2], $0x80, v5, vm0, $0xb8;
	[tilespmem:$0x10100] =	vst v63  }
0x8e: {  	s12 =	simm.s32 $0x5900  }
0x8f: {  	[hbm4b:s11+s3] =	stream.indirect_vreg.scatter [tilespmem:s12], [sflag:$0x2], $0x80, v5, vm0, $0xb8;
	[tilespmem:$0x10100] =	vst v63  }
0x90: {  	_ = 	snop  }
0x91: {  	[hbm4b:s5+s3] =	stream.indirect_vreg.scatter [tilespmem:s17], [sflag:$0x2], $0x80, v4, vm0, $0xb8;
	[tilespmem:$0x10100] =	vst v63  }
0x92: {  	s16 =	simm.s32 $0x6900  }
0x93: {  	[hbm4b:s9+s3] =	stream.indirect_vreg.scatter [tilespmem:s16], [sflag:$0x2], $0x80, v4, vm0, $0xb8;
	[tilespmem:$0x10100] =	vst v63  }
0x94: {  	_ = 	snop  }
0x95: {  	[hbm4b:s10+s3] =	stream.indirect_vreg.scatter [tilespmem:s18], [sflag:$0x2], $0x80, v4, vm0, $0xb8;
	[tilespmem:$0x10100] =	vst v63  }
0x96: {  	s15 =	simm.s32 $0x7900  }
0x97: {  	[hbm4b:s11+s3] =	stream.indirect_vreg.scatter [tilespmem:s15], [sflag:$0x2], $0x80, v4, vm0, $0xb8;
	[tilespmem:$0x10100] =	vst v63  }
0x98: {  	v4 =	vld [tilespmem:$0x20];
	_ =	sdelay $0x4  }
0x99: {  	v5 =	vshll.u32 v4, $0x3  }
0x9a: {  	v4 =	vand.u32 $0x7, v4;
	v5 =	vand.u32 $0xFFFFFFC0, v5  }
0x9b: {  	v4 =	vor.u32 v4, v5  }
0x9c: {  	v5 =	vperm.xlane v4, v1;
	_ =	sdelay $0x1  }
0x9d: {  	v5 =	vadd.s32 v2, v5;
	_ =	sdelay $0x4  }
0x9e: {  	[hbm4b:s5+s3] =	stream.indirect_vreg.scatter [tilespmem:s19], [sflag:$0x2], $0x80, v5, vm0, $0xb8;
	[tilespmem:$0x10100] =	vst v63  }
0x9f: {  	s18 =	simm.s32 $0x8900;
	v4 =	vperm.xlane v4, v3  }
0xa0: {  	[hbm4b:s9+s3] =	stream.indirect_vreg.scatter [tilespmem:s18], [sflag:$0x2], $0x80, v5, vm0, $0xb8;
	[tilespmem:$0x10100] =	vst v63  }
0xa1: {  	v4 =	vadd.s32 v2, v4  }
0xa2: {  	[hbm4b:s10+s3] =	stream.indirect_vreg.scatter [tilespmem:s20], [sflag:$0x2], $0x80, v5, vm0, $0xb8;
	[tilespmem:$0x10100] =	vst v63  }
0xa3: {  	s17 =	simm.s32 $0x9900  }
0xa4: {  	[hbm4b:s11+s3] =	stream.indirect_vreg.scatter [tilespmem:s17], [sflag:$0x2], $0x80, v5, vm0, $0xb8;
	[tilespmem:$0x10100] =	vst v63  }
0xa5: {  	_ = 	snop  }
0xa6: {  	[hbm4b:s5+s3] =	stream.indirect_vreg.scatter [tilespmem:s21], [sflag:$0x2], $0x80, v4, vm0, $0xb8;
	[tilespmem:$0x10100] =	vst v63  }
0xa7: {  	s20 =	simm.s32 $0xA900  }
0xa8: {  	[hbm4b:s9+s3] =	stream.indirect_vreg.scatter [tilespmem:s20], [sflag:$0x2], $0x80, v4, vm0, $0xb8;
	[tilespmem:$0x10100] =	vst v63  }
0xa9: {  	_ = 	snop  }
0xaa: {  	[hbm4b:s10+s3] =	stream.indirect_vreg.scatter [tilespmem:s22], [sflag:$0x2], $0x80, v4, vm0, $0xb8;
	[tilespmem:$0x10100] =	vst v63  }
0xab: {  	s19 =	simm.s32 $0xB900  }
0xac: {  	[hbm4b:s11+s3] =	stream.indirect_vreg.scatter [tilespmem:s19], [sflag:$0x2], $0x80, v4, vm0, $0xb8;
	[tilespmem:$0x10100] =	vst v63  }
0xad: {  	v4 =	vld [tilespmem:$0x30];
	_ =	sdelay $0x4  }
0xae: {  	v5 =	vshll.u32 v4, $0x3  }
0xaf: {  	v4 =	vand.u32 $0x7, v4;
	v5 =	vand.u32 $0xFFFFFFC0, v5  }
0xb0: {  	v4 =	vor.u32 v4, v5  }
0xb1: {  	v5 =	vperm.xlane v4, v1;
	_ =	sdelay $0x1  }
0xb2: {  	v5 =	vadd.s32 v2, v5;
	_ =	sdelay $0x4  }
0xb3: {  	[hbm4b:s5+s3] =	stream.indirect_vreg.scatter [tilespmem:s23], [sflag:$0x2], $0x80, v5, vm0, $0xb8;
	[tilespmem:$0x10100] =	vst v63  }
0xb4: {  	s22 =	simm.s32 $0xC900;
	v4 =	vperm.xlane v4, v3  }
0xb5: {  	[hbm4b:s9+s3] =	stream.indirect_vreg.scatter [tilespmem:s22], [sflag:$0x2], $0x80, v5, vm0, $0xb8;
	[tilespmem:$0x10100] =	vst v63  }
0xb6: {  	v4 =	vadd.s32 v2, v4  }
0xb7: {  	[hbm4b:s10+s3] =	stream.indirect_vreg.scatter [tilespmem:s24], [sflag:$0x2], $0x80, v5, vm0, $0xb8;
	[tilespmem:$0x10100] =	vst v63  }
0xb8: {  	s21 =	simm.s32 $0xD900  }
0xb9: {  	[hbm4b:s11+s3] =	stream.indirect_vreg.scatter [tilespmem:s21], [sflag:$0x2], $0x80, v5, vm0, $0xb8;
	[tilespmem:$0x10100] =	vst v63  }
0xba: {  	_ = 	snop  }
0xbb: {  	[hbm4b:s5+s3] =	stream.indirect_vreg.scatter [tilespmem:s25], [sflag:$0x2], $0x80, v4, vm0, $0xb8;
	[tilespmem:$0x10100] =	vst v63  }
0xbc: {  	s24 =	simm.s32 $0xE900  }
0xbd: {  	[hbm4b:s9+s3] =	stream.indirect_vreg.scatter [tilespmem:s24], [sflag:$0x2], $0x80, v4, vm0, $0xb8;
	[tilespmem:$0x10100] =	vst v63  }
0xbe: {  	p0 =	sne.s32 s30, $0x1C0  }
0xbf: {  	[hbm4b:s10+s3] =	stream.indirect_vreg.scatter [tilespmem:s14], [sflag:$0x2], $0x80, v4, vm0, $0xb8;
	[tilespmem:$0x10100] =	vst v63  }
.Ltmp0:
0xc0: {  	s23 =	simm.s32 $0xF900;
	s25 =	simm.s32 $0x2;
	(pc) =	sbr.rel @p0 .LBB2_2-.Ltmp0, $4  }
0xc1: {  	[hbm4b:s11+s3] =	stream.indirect_vreg.scatter [tilespmem:s23], [sflag:$0x2], $0x80, v4, vm0, $0xb8;
	[tilespmem:$0x10100] =	vst v63  }
0xc2: {  	_ =	swait.ge [sflag:s25], $0x10000  }
0xc3: {  	[sflag:s25] =	ssyncset.done $0x0  }
0xc4: {  	s29 =	sadd.s32 $0x8, s29;
	s30 =	sadd.s32 $0x40, s30;
	[sflag:s25] =	ssyncadd.s32 $0xFFFF0000  }
0xc5: {  	s1 =	rddreg [dreg:$0x5]  }
0xc6: {  	s0 =	rddreg [dreg:$0x3];
	s1 =	sadd.s32 $0x1, s1  }
0xc7: {  	p0 =	sne.s32 s1, s0  }
.Ltmp1:
0xc8: {  	_ = 	snop;
	(pc) =	sbr.rel @p0 .LBB2_1-.Ltmp1, $1  }
0xc9: {  	_ =	sdelay $0x3  }
0xca: {  	_ =	sfence.sel $0x180000  }
0xcb: {  	[bflag:$0x0] =	sbarrier.arrive $0xFFFF  }
0xcc: {  	_ =	strace $0x90000047  }
0xcd: {  	s0 =	stileid.u32;
	[bflag:$0x2] =	sbarrier.arrive $0xFFFF  }
0xce: {  	p0 =	sne.s32 s0, $0x0;
	s0 =	rddreg [dreg:$0x2]  }
0xcf: {  	s0 =	sadd.s32 @!p0 $0x100000, s0  }
0xd0: {  	[sflag:s0] =	ssyncadd.tile.s32 @!p0 $0x1;
	_ =	shalt  }
.Lfunc_end2:
_tile_overlayer_lowered:
.L_overlay_start_2:
0xd1: {  	(tag) =	ssettag $0x2  }
0xd2: {  	s0 =	rddreg [dreg:$0x0];
	s2 =	stileid.u32  }
0xd3: {  	s1 =	rddreg [dreg:$0x1];
	p0 =	sne.s32 s2, $0x0  }
0xd4: {  	s3 =	rddreg [dreg:$0x2];
	[bflag:$0x3] =	sbarrier.arrive $0xFFFF;
	s2 =	simm.s32 @!p0 $0x1C03  }
0xd5: {  	[timem:s3], [sflag:s2] =	dma.local @!p0 [hbm:s0], s1  }
0xd6: {  	s0 =	simm.s32 @!p0 $0x3  }
0xd7: {  	_ =	swait.ge @!p0 [sflag:s0], s1  }
0xd8: {  	s1 =	ssub.s32 @!p0 $0x0, s1;
	[sflag:s0] =	ssyncset.done @!p0 $0x0  }
0xd9: {  	[sflag:s0] =	ssyncadd.s32 @!p0 s1  }
0xda: {  	[bflag:$0x3] =	sbarrier.arrive $0xFFFF  }
0xdb: {  	_ =	shalt  }

</sc_bundles>
